<compile_context>
chip_gen: v7x
topology: tpu7x:2x2x1
jax: 0.10.2.dev20260603
libtpu: 0.0.44.dev20260713+nightly
codegen_flags: <defaults>
</compile_context>

<pallas_src>
import jax
import jax.numpy as jnp
from jax import lax
from jax.experimental import pallas as pl
from jax.experimental.pallas import tpu as pltpu
from jax.experimental.pallas import tpu_sc as plsc

B, L, D = 4, 8192, 1024
MAX_SEGS = 512
N = B * L
NC, NS = 2, 16
NW = NC * NS
PER_W = N // NW
C = 16
G = PER_W // C
LANES = 16
W = D // 2
GROUPS = D // 32
NX = 4
NP = 4


def _sc_body(x_hbm, idx_hbm, tbl_hbm, out_hbm, *scratch):
    idx_all = scratch[0]
    pe_b = scratch[1:1 + NP]
    x_b = scratch[1 + NP:1 + NP + NX]
    o = 1 + NP + NX
    sem_pe = scratch[o:o + NP]
    sem_x = scratch[o + NP:o + NP + NX]
    sem_out = scratch[o + NP + NX:o + NP + 2 * NX]

    wid = lax.axis_index("s") * NC + lax.axis_index("c")
    row0 = wid * PER_W

    pltpu.sync_copy(idx_hbm.at[pl.ds(row0, PER_W)], idx_all)

    def start_x(g, sx):
        pltpu.async_copy(x_hbm.at[pl.ds(row0 + g * C, C)], x_b[sx], sem_x[sx])

    def start_pe(g, sp):
        pltpu.async_copy(tbl_hbm.at[idx_all.at[pl.ds(g * C, C)]], pe_b[sp],
                         sem_pe[sp])

    def wait_loads(sx, sp):
        pltpu.make_async_copy(x_hbm.at[pl.ds(0, C)], x_b[sx], sem_x[sx]).wait()
        pltpu.make_async_copy(tbl_hbm.at[pl.ds(0, C)], pe_b[sp], sem_pe[sp]).wait()

    def wait_store(sx):
        pltpu.make_async_copy(x_b[sx], out_hbm.at[pl.ds(0, C)], sem_out[sx]).wait()

    def add_chunk(sx, sp):
        xbuf = x_b[sx]
        pebuf = pe_b[sp].bitcast(jnp.bfloat16)

        @plsc.parallel_loop(0, C * 32, 1, unroll=8)
        def add_body(i):
            r = i // 32
            c = (i % 32) * 16
            rr = pl.multiple_of(2 * r, 2)
            t = pebuf[pl.ds(rr, 2), pl.ds(c, 16)]
            cvt = t.astype(jnp.float32)
            plsc.addupdate(xbuf.at[r, pl.ds(c, LANES)], cvt[0])
            plsc.addupdate(xbuf.at[r, pl.ds(c + 512, LANES)], cvt[1])

    def step(g, k, drain, prologue=False):
        if drain:
            wait_store((k + 1) % NX)

        @pl.when(g + 1 < G)
        def _():
            start_x(g + 1, (k + 1) % NX)

        if not prologue:
            @pl.when(g + 2 < G)
            def _():
                start_pe(g + 2, (k + 2) % NP)

        wait_loads(k, k)
        add_chunk(k, k)
        pltpu.async_copy(x_b[k], out_hbm.at[pl.ds(row0 + g * C, C)], sem_out[k])

    start_pe(0, 0)
    start_pe(1, 1)
    start_x(0, 0)
    for g in range(NX):
        if g + 2 < G:
            start_pe(g + 2, (g + 2) % NP)
        step(g, g, drain=g >= NX - 1, prologue=True)

    def quad(i, _):
        for k in range(NX):
            step(NX * i + k, k, drain=True)
        return ()

    lax.fori_loop(1, G // NX, quad, ())
    for g in range(G - NX + 1, G):
        wait_store(g % NX)


@jax.jit
def _run(x2, idx, tbl):
    mesh = plsc.VectorSubcoreMesh(core_axis_name="c", subcore_axis_name="s")
    f = pl.kernel(
        _sc_body,
        out_type=jax.ShapeDtypeStruct((N, D), jnp.float32),
        mesh=mesh,
        scratch_types=(
            [pltpu.VMEM((PER_W,), jnp.int32)]
            + [pltpu.VMEM((C, W), jnp.int32)] * NP
            + [pltpu.VMEM((C, D), jnp.float32)] * NX
            + [pltpu.SemaphoreType.DMA] * (NP + 2 * NX)
        ),
    )
    return f(x2, idx, tbl)


def _pack_table(sinus):
    sb = sinus.astype(jnp.bfloat16)
    u = lax.bitcast_convert_type(sb, jnp.uint16).astype(jnp.uint32)
    words = u[:, :W] | (u[:, W:] << 16)
    return lax.bitcast_convert_type(words, jnp.int32)


def kernel(x, seg_idx, sinus):
    x2 = x.reshape(N, D)
    idx = seg_idx.reshape(N).astype(jnp.int32)
    return _run(x2, idx, _pack_table(sinus)).reshape(B, L, D)

# --- scband reference (transcript-rebuilt; emitter-appended) ---
"""Pipeline reference for scband-segment-sinusoidal-pe-39359080301021 (READ-ONLY COPY).

The authoritative reference and input builder live on the scoring server;
editing this copy changes nothing except your own understanding.
"""

import jax, jax.numpy as jnp
import numpy as np
import math

MAX_SEGS = 512
D_MODEL = 1024
B, L = 4, 8192


def build_sinusoidal(max_pos, dim, zero_pad=True):
    position = np.arange(max_pos, dtype=np.float32)[:, None]
    div_term = np.exp(np.arange(0, dim, 2, dtype=np.float32) * -(math.log(10000.0) / dim))
    pe = np.zeros((max_pos, dim), dtype=np.float32)
    pe[:, 0::2] = np.sin(position * div_term)
    pe[:, 1::2] = np.cos(position * div_term)
    if zero_pad:
        return np.concatenate([np.zeros((1, dim), dtype=np.float32), pe], axis=0)
    return pe


def setup_inputs(seed: int = 0) -> dict:
    key = jax.random.key(seed)
    k1, k2 = jax.random.split(key)
    x = jax.random.normal(k1, (B, L, D_MODEL), dtype=jnp.float32)
    seg_idx = jax.random.randint(k2, (B, L), 0, MAX_SEGS + 1, dtype=jnp.int64 if jax.config.read('jax_enable_x64') else jnp.int32)
    sinus = jnp.asarray(build_sinusoidal(MAX_SEGS, D_MODEL, zero_pad=True))
    return {"x": x, "seg_idx": seg_idx, "sinus": sinus}


def reference(x, seg_idx, sinus):
    # x: [B, L, D]; seg_idx: [B, L] in 0..max_segs; sinus: [max_segs+1, D]
    return x + jnp.take(sinus, seg_idx, axis=0)

if __name__ == "__main__":
    import jax
    _d = setup_inputs()
    print(jax.jit(kernel)(*tuple(_d.values())))

</pallas_src>

<mosaic_0001>
#map = affine_map<(d0, d1) -> (0, 0)>
#map1 = affine_map<(d0, d1) -> (0)>
module attributes {stable_mosaic.version = 14 : i64} {
  func.func @_sc_body(%arg0: i32, %arg1: i32, %arg2: memref<32768x1024xf32, #tpu.memory_space<hbm>>, %arg3: memref<32768xi32, #tpu.memory_space<hbm>>, %arg4: memref<513x512xi32, #tpu.memory_space<hbm>>, %arg5: memref<32768x1024xf32, #tpu.memory_space<hbm>>, %arg6: memref<1024xi32, #tpu.memory_space<vmem>>, %arg7: memref<16x512xi32, #tpu.memory_space<vmem>>, %arg8: memref<16x512xi32, #tpu.memory_space<vmem>>, %arg9: memref<16x512xi32, #tpu.memory_space<vmem>>, %arg10: memref<16x512xi32, #tpu.memory_space<vmem>>, %arg11: memref<16x1024xf32, #tpu.memory_space<vmem>>, %arg12: memref<16x1024xf32, #tpu.memory_space<vmem>>, %arg13: memref<16x1024xf32, #tpu.memory_space<vmem>>, %arg14: memref<16x1024xf32, #tpu.memory_space<vmem>>, %arg15: memref<!tpu.dma_semaphore, #tpu.memory_space<semaphore_mem>>, %arg16: memref<!tpu.dma_semaphore, #tpu.memory_space<semaphore_mem>>, %arg17: memref<!tpu.dma_semaphore, #tpu.memory_space<semaphore_mem>>, %arg18: memref<!tpu.dma_semaphore, #tpu.memory_space<semaphore_mem>>, %arg19: memref<!tpu.dma_semaphore, #tpu.memory_space<semaphore_mem>>, %arg20: memref<!tpu.dma_semaphore, #tpu.memory_space<semaphore_mem>>, %arg21: memref<!tpu.dma_semaphore, #tpu.memory_space<semaphore_mem>>, %arg22: memref<!tpu.dma_semaphore, #tpu.memory_space<semaphore_mem>>, %arg23: memref<!tpu.dma_semaphore, #tpu.memory_space<semaphore_mem>>, %arg24: memref<!tpu.dma_semaphore, #tpu.memory_space<semaphore_mem>>, %arg25: memref<!tpu.dma_semaphore, #tpu.memory_space<semaphore_mem>>, %arg26: memref<!tpu.dma_semaphore, #tpu.memory_space<semaphore_mem>>) attributes {dimension_semantics = [#tpu.dimension_semantics<core_parallel>, #tpu.dimension_semantics<subcore_parallel>], iteration_bounds = array<i64: 2, 16>, scalar_prefetch = 0 : i64, scratch_operands = 21 : i64, tpu.core_type = #tpu.core_type<sc_vector_subcore>, window_params = [{transform_indices = #map}, {transform_indices = #map1}, {transform_indices = #map}, {transform_indices = #map}]} {
    %mul3A = arith.constant 2 : i32
    %mul3A_0 = arith.muli %arg1, %mul3A : i32
    %add3A = arith.addi %mul3A_0, %arg0 : i32
    %mul3A_1 = arith.constant 1024 : i32
    %mul3A_2 = arith.muli %add3A, %mul3A_1 : i32
    "tpu.region"() ({
      %run_scoped3A = tpu.sem_alloc : memref<!tpu.dma_semaphore, #tpu.memory_space<semaphore_mem>>
      %dma_start3A_172 = tpu.memref_slice %arg3[%mul3A_2] : memref<32768xi32, #tpu.memory_space<hbm>> -> memref<1024xi32, #tpu.memory_space<hbm>>
      %dma_start3A_173 = tpu.memref_slice %arg3[%mul3A_2] : memref<32768xi32, #tpu.memory_space<hbm>> -> memref<1024xi32, #tpu.memory_space<hbm>>
      tpu.enqueue_dma source(%dma_start3A_173 : memref<1024xi32, #tpu.memory_space<hbm>>) target(%arg6 : memref<1024xi32, #tpu.memory_space<vmem>>) target_semaphore(%run_scoped3A : memref<!tpu.dma_semaphore, #tpu.memory_space<semaphore_mem>>)
      %dma_wait3A_174 = tpu.memref_slice %arg3[%mul3A_2] : memref<32768xi32, #tpu.memory_space<hbm>> -> memref<1024xi32, #tpu.memory_space<hbm>>
      %dma_wait3A_175 = tpu.memref_slice %arg3[%mul3A_2] : memref<32768xi32, #tpu.memory_space<hbm>> -> memref<1024xi32, #tpu.memory_space<hbm>>
      tpu.wait_dma2 semaphore(%run_scoped3A : memref<!tpu.dma_semaphore, #tpu.memory_space<semaphore_mem>>) src(%dma_wait3A_175 : memref<1024xi32, #tpu.memory_space<hbm>>) dst(%arg6 : memref<1024xi32, #tpu.memory_space<vmem>>)
      tpu.yield
    }) : () -> ()
    %dma_start3A = arith.constant 0 : i32
    %dma_start3A_3 = tpu.memref_slice %arg6[%dma_start3A] : memref<1024xi32, #tpu.memory_space<vmem>> -> memref<16xi32, #tpu.memory_space<vmem>>
    %dma_start3A_4 = arith.constant 0 : i32
    %dma_start3A_5 = arith.constant 0 : i32
    %dma_start3A_6 = tpu.memref_slice %arg4[%dma_start3A_4, %dma_start3A_5] : memref<513x512xi32, #tpu.memory_space<hbm>> -> memref<513x512xi32, #tpu.memory_space<hbm>>
    tpu.enqueue_indirect_dma source(%dma_start3A_6 : memref<513x512xi32, #tpu.memory_space<hbm>>) target(%arg7 : memref<16x512xi32, #tpu.memory_space<vmem>>) offsets(%dma_start3A_3 : memref<16xi32, #tpu.memory_space<vmem>>) semaphore(%arg15 : memref<!tpu.dma_semaphore, #tpu.memory_space<semaphore_mem>>)
    %dma_start3A_7 = arith.constant 16 : i32
    %dma_start3A_8 = tpu.memref_slice %arg6[%dma_start3A_7] : memref<1024xi32, #tpu.memory_space<vmem>> -> memref<16xi32, #tpu.memory_space<vmem>>
    %dma_start3A_9 = arith.constant 0 : i32
    %dma_start3A_10 = arith.constant 0 : i32
    %dma_start3A_11 = tpu.memref_slice %arg4[%dma_start3A_9, %dma_start3A_10] : memref<513x512xi32, #tpu.memory_space<hbm>> -> memref<513x512xi32, #tpu.memory_space<hbm>>
    tpu.enqueue_indirect_dma source(%dma_start3A_11 : memref<513x512xi32, #tpu.memory_space<hbm>>) target(%arg8 : memref<16x512xi32, #tpu.memory_space<vmem>>) offsets(%dma_start3A_8 : memref<16xi32, #tpu.memory_space<vmem>>) semaphore(%arg16 : memref<!tpu.dma_semaphore, #tpu.memory_space<semaphore_mem>>)
    %add3A_12 = arith.constant 0 : i32
    %add3A_13 = arith.addi %mul3A_2, %add3A_12 : i32
    %dma_start3A_14 = arith.constant 0 : i32
    %dma_start3A_15 = tpu.memref_slice %arg2[%add3A_13, %dma_start3A_14] : memref<32768x1024xf32, #tpu.memory_space<hbm>> -> memref<16x1024xf32, #tpu.memory_space<hbm>>
    %dma_start3A_16 = arith.constant 0 : i32
    %dma_start3A_17 = tpu.memref_slice %arg2[%add3A_13, %dma_start3A_16] : memref<32768x1024xf32, #tpu.memory_space<hbm>> -> memref<16x1024xf32, #tpu.memory_space<hbm>>
    tpu.enqueue_dma source(%dma_start3A_17 : memref<16x1024xf32, #tpu.memory_space<hbm>>) target(%arg11 : memref<16x1024xf32, #tpu.memory_space<vmem>>) target_semaphore(%arg19 : memref<!tpu.dma_semaphore, #tpu.memory_space<semaphore_mem>>)
    %dma_start3A_18 = arith.constant 32 : i32
    %dma_start3A_19 = tpu.memref_slice %arg6[%dma_start3A_18] : memref<1024xi32, #tpu.memory_space<vmem>> -> memref<16xi32, #tpu.memory_space<vmem>>
    %dma_start3A_20 = arith.constant 0 : i32
    %dma_start3A_21 = arith.constant 0 : i32
    %dma_start3A_22 = tpu.memref_slice %arg4[%dma_start3A_20, %dma_start3A_21] : memref<513x512xi32, #tpu.memory_space<hbm>> -> memref<513x512xi32, #tpu.memory_space<hbm>>
    tpu.enqueue_indirect_dma source(%dma_start3A_22 : memref<513x512xi32, #tpu.memory_space<hbm>>) target(%arg9 : memref<16x512xi32, #tpu.memory_space<vmem>>) offsets(%dma_start3A_19 : memref<16xi32, #tpu.memory_space<vmem>>) semaphore(%arg17 : memref<!tpu.dma_semaphore, #tpu.memory_space<semaphore_mem>>)
    %add3A_23 = arith.constant 16 : i32
    %add3A_24 = arith.addi %mul3A_2, %add3A_23 : i32
    %dma_start3A_25 = arith.constant 0 : i32
    %dma_start3A_26 = tpu.memref_slice %arg2[%add3A_24, %dma_start3A_25] : memref<32768x1024xf32, #tpu.memory_space<hbm>> -> memref<16x1024xf32, #tpu.memory_space<hbm>>
    %dma_start3A_27 = arith.constant 0 : i32
    %dma_start3A_28 = tpu.memref_slice %arg2[%add3A_24, %dma_start3A_27] : memref<32768x1024xf32, #tpu.memory_space<hbm>> -> memref<16x1024xf32, #tpu.memory_space<hbm>>
    tpu.enqueue_dma source(%dma_start3A_28 : memref<16x1024xf32, #tpu.memory_space<hbm>>) target(%arg12 : memref<16x1024xf32, #tpu.memory_space<vmem>>) target_semaphore(%arg20 : memref<!tpu.dma_semaphore, #tpu.memory_space<semaphore_mem>>)
    %dma_wait3A = arith.constant 0 : i32
    %dma_wait3A_29 = arith.constant 0 : i32
    %dma_wait3A_30 = tpu.memref_slice %arg2[%dma_wait3A, %dma_wait3A_29] : memref<32768x1024xf32, #tpu.memory_space<hbm>> -> memref<16x1024xf32, #tpu.memory_space<hbm>>
    %dma_wait3A_31 = arith.constant 0 : i32
    %dma_wait3A_32 = arith.constant 0 : i32
    %dma_wait3A_33 = tpu.memref_slice %arg2[%dma_wait3A_31, %dma_wait3A_32] : memref<32768x1024xf32, #tpu.memory_space<hbm>> -> memref<16x1024xf32, #tpu.memory_space<hbm>>
    tpu.wait_dma2 semaphore(%arg19 : memref<!tpu.dma_semaphore, #tpu.memory_space<semaphore_mem>>) src(%dma_wait3A_33 : memref<16x1024xf32, #tpu.memory_space<hbm>>) dst(%arg11 : memref<16x1024xf32, #tpu.memory_space<vmem>>)
    %dma_wait3A_34 = arith.constant 0 : i32
    %dma_wait3A_35 = arith.constant 0 : i32
    %dma_wait3A_36 = tpu.memref_slice %arg4[%dma_wait3A_34, %dma_wait3A_35] : memref<513x512xi32, #tpu.memory_space<hbm>> -> memref<16x512xi32, #tpu.memory_space<hbm>>
    %dma_wait3A_37 = arith.constant 0 : i32
    %dma_wait3A_38 = arith.constant 0 : i32
    %dma_wait3A_39 = tpu.memref_slice %arg4[%dma_wait3A_37, %dma_wait3A_38] : memref<513x512xi32, #tpu.memory_space<hbm>> -> memref<16x512xi32, #tpu.memory_space<hbm>>
    tpu.wait_dma2 semaphore(%arg15 : memref<!tpu.dma_semaphore, #tpu.memory_space<semaphore_mem>>) src(%dma_wait3A_39 : memref<16x512xi32, #tpu.memory_space<hbm>>) dst(%arg7 : memref<16x512xi32, #tpu.memory_space<vmem>>)
    %parallel_loop3A = arith.constant 0 : i32
    %parallel_loop3A_40 = arith.constant 512 : i32
    %parallel_loop3A_41 = arith.constant 1 : i32
    scf.for %parallel_loop3A_172 = %parallel_loop3A to %parallel_loop3A_40 step %parallel_loop3A_41  : i32 {
      %parallel_loop3A_173 = arith.constant 32 : i32
      %parallel_loop3A_174 = arith.divsi %parallel_loop3A_172, %parallel_loop3A_173 : i32
      %parallel_loop3A_175 = arith.constant 0 : i32
      %parallel_loop3A_176 = arith.cmpi sgt, %parallel_loop3A_172, %parallel_loop3A_175 : i32
      %parallel_loop3A_177 = arith.extui %parallel_loop3A_176 : i1 to i32
      %parallel_loop3A_178 = arith.constant 0 : i32
      %parallel_loop3A_179 = arith.cmpi slt, %parallel_loop3A_172, %parallel_loop3A_178 : i32
      %parallel_loop3A_180 = arith.extui %parallel_loop3A_179 : i1 to i32
      %parallel_loop3A_181 = arith.subi %parallel_loop3A_177, %parallel_loop3A_180 : i32
      %parallel_loop3A_182 = arith.constant 0 : i32
      %parallel_loop3A_183 = arith.cmpi sgt, %parallel_loop3A_173, %parallel_loop3A_182 : i32
      %parallel_loop3A_184 = arith.extui %parallel_loop3A_183 : i1 to i32
      %parallel_loop3A_185 = arith.constant 0 : i32
      %parallel_loop3A_186 = arith.cmpi slt, %parallel_loop3A_173, %parallel_loop3A_185 : i32
      %parallel_loop3A_187 = arith.extui %parallel_loop3A_186 : i1 to i32
      %parallel_loop3A_188 = arith.subi %parallel_loop3A_184, %parallel_loop3A_187 : i32
      %parallel_loop3A_189 = arith.cmpi ne, %parallel_loop3A_181, %parallel_loop3A_188 : i32
      %parallel_loop3A_190 = arith.remsi %parallel_loop3A_172, %parallel_loop3A_173 : i32
      %parallel_loop3A_191 = arith.constant 0 : i32
      %parallel_loop3A_192 = arith.cmpi ne, %parallel_loop3A_190, %parallel_loop3A_191 : i32
      %parallel_loop3A_193 = arith.andi %parallel_loop3A_189, %parallel_loop3A_192 : i1
      %parallel_loop3A_194 = arith.constant 1 : i32
      %parallel_loop3A_195 = arith.subi %parallel_loop3A_174, %parallel_loop3A_194 : i32
      %parallel_loop3A_196 = arith.select %parallel_loop3A_193, %parallel_loop3A_195, %parallel_loop3A_174 : i32
      %parallel_loop3A_197 = arith.constant 32 : i32
      %parallel_loop3A_198 = arith.constant 0 : i32
      %parallel_loop3A_199 = arith.cmpi eq, %parallel_loop3A_197, %parallel_loop3A_198 : i32
      %parallel_loop3A_200 = arith.constant 1 : i32
      %parallel_loop3A_201 = arith.select %parallel_loop3A_199, %parallel_loop3A_200, %parallel_loop3A_197 : i32
      %parallel_loop3A_202 = arith.remsi %parallel_loop3A_172, %parallel_loop3A_201 : i32
      %parallel_loop3A_203 = arith.constant 0 : i32
      %parallel_loop3A_204 = arith.cmpi ne, %parallel_loop3A_202, %parallel_loop3A_203 : i32
      %parallel_loop3A_205 = arith.constant 0 : i32
      %parallel_loop3A_206 = arith.cmpi slt, %parallel_loop3A_202, %parallel_loop3A_205 : i32
      %parallel_loop3A_207 = arith.constant 0 : i32
      %parallel_loop3A_208 = arith.cmpi slt, %parallel_loop3A_201, %parallel_loop3A_207 : i32
      %parallel_loop3A_209 = arith.xori %parallel_loop3A_206, %parallel_loop3A_208 : i1
      %parallel_loop3A_210 = arith.andi %parallel_loop3A_209, %parallel_loop3A_204 : i1
      %parallel_loop3A_211 = arith.addi %parallel_loop3A_202, %parallel_loop3A_201 : i32
      %parallel_loop3A_212 = arith.select %parallel_loop3A_210, %parallel_loop3A_211, %parallel_loop3A_202 : i32
      %parallel_loop3A_213 = arith.constant 16 : i32
      %parallel_loop3A_214 = arith.muli %parallel_loop3A_212, %parallel_loop3A_213 : i32
      %parallel_loop3A_215 = arith.constant 2 : i32
      %parallel_loop3A_216 = arith.muli %parallel_loop3A_215, %parallel_loop3A_196 : i32
      %parallel_loop3A_217 = tpu.assume_multiple %parallel_loop3A_216, 2 : i32
      %parallel_loop3A_218 = tpu.memref_bitcast %arg7 : memref<16x512xi32, #tpu.memory_space<vmem>> -> memref<32x512xbf16, #tpu.memory_space<vmem>>
      %parallel_loop3A_219 = arith.index_cast %parallel_loop3A_217 : i32 to index
      %parallel_loop3A_220 = arith.index_cast %parallel_loop3A_214 : i32 to index
      %parallel_loop3A_221 = tpu.vector_load %parallel_loop3A_218[%parallel_loop3A_219, %parallel_loop3A_220] {strides = array<i32>} : memref<32x512xbf16, #tpu.memory_space<vmem>>, vector<2x16xbf16>,
      %parallel_loop3A_222 = vector.shape_cast %parallel_loop3A_221 : vector<2x16xbf16> to vector<2x16xbf16>
      %parallel_loop3A_223 = arith.extf %parallel_loop3A_222 : vector<2x16xbf16> to vector<2x16xf32>
      %parallel_loop3A_224 = vector.extract_strided_slice %parallel_loop3A_223 {offsets = [0, 0], sizes = [1, 16], strides = [1, 1]} : vector<2x16xf32> to vector<1x16xf32>
      %parallel_loop3A_225 = vector.shape_cast %parallel_loop3A_224 : vector<1x16xf32> to vector<16xf32>
      %parallel_loop3A_226 = arith.index_cast %parallel_loop3A_196 : i32 to index
      %parallel_loop3A_227 = arith.index_cast %parallel_loop3A_214 : i32 to index
      %parallel_loop3A_228 = tpu.vector_load %arg11[%parallel_loop3A_226, %parallel_loop3A_227] {strides = array<i32>} : memref<16x1024xf32, #tpu.memory_space<vmem>>, vector<1x16xf32>,
      %parallel_loop3A_229 = vector.shape_cast %parallel_loop3A_228 : vector<1x16xf32> to vector<16xf32>
      %parallel_loop3A_230 = vector.shape_cast %parallel_loop3A_225 : vector<16xf32> to vector<1x16xf32>
      tpu.vector_store %arg11[%parallel_loop3A_226, %parallel_loop3A_227], %parallel_loop3A_230 {add = true, strides = array<i32>} : memref<16x1024xf32, #tpu.memory_space<vmem>>, vector<1x16xf32>,
      %parallel_loop3A_231 = arith.constant 512 : i32
      %parallel_loop3A_232 = arith.addi %parallel_loop3A_214, %parallel_loop3A_231 : i32
      %parallel_loop3A_233 = vector.extract_strided_slice %parallel_loop3A_223 {offsets = [1, 0], sizes = [1, 16], strides = [1, 1]} : vector<2x16xf32> to vector<1x16xf32>
      %parallel_loop3A_234 = vector.shape_cast %parallel_loop3A_233 : vector<1x16xf32> to vector<16xf32>
      %parallel_loop3A_235 = arith.index_cast %parallel_loop3A_196 : i32 to index
      %parallel_loop3A_236 = arith.index_cast %parallel_loop3A_232 : i32 to index
      %parallel_loop3A_237 = tpu.vector_load %arg11[%parallel_loop3A_235, %parallel_loop3A_236] {strides = array<i32>} : memref<16x1024xf32, #tpu.memory_space<vmem>>, vector<1x16xf32>,
      %parallel_loop3A_238 = vector.shape_cast %parallel_loop3A_237 : vector<1x16xf32> to vector<16xf32>
      %parallel_loop3A_239 = vector.shape_cast %parallel_loop3A_234 : vector<16xf32> to vector<1x16xf32>
      tpu.vector_store %arg11[%parallel_loop3A_235, %parallel_loop3A_236], %parallel_loop3A_239 {add = true, strides = array<i32>} : memref<16x1024xf32, #tpu.memory_space<vmem>>, vector<1x16xf32>,
    } {sc.loop_unroll_factor = 8 : i64, sc.parallel_access}
    %add3A_42 = arith.constant 0 : i32
    %add3A_43 = arith.addi %mul3A_2, %add3A_42 : i32
    %dma_start3A_44 = arith.constant 0 : i32
    %dma_start3A_45 = tpu.memref_slice %arg5[%add3A_43, %dma_start3A_44] : memref<32768x1024xf32, #tpu.memory_space<hbm>> -> memref<16x1024xf32, #tpu.memory_space<hbm>>
    %dma_start3A_46 = arith.constant 0 : i32
    %dma_start3A_47 = tpu.memref_slice %arg5[%add3A_43, %dma_start3A_46] : memref<32768x1024xf32, #tpu.memory_space<hbm>> -> memref<16x1024xf32, #tpu.memory_space<hbm>>
    tpu.enqueue_dma source(%arg11 : memref<16x1024xf32, #tpu.memory_space<vmem>>) target(%dma_start3A_47 : memref<16x1024xf32, #tpu.memory_space<hbm>>) target_semaphore(%arg23 : memref<!tpu.dma_semaphore, #tpu.memory_space<semaphore_mem>>)
    %dma_start3A_48 = arith.constant 48 : i32
    %dma_start3A_49 = tpu.memref_slice %arg6[%dma_start3A_48] : memref<1024xi32, #tpu.memory_space<vmem>> -> memref<16xi32, #tpu.memory_space<vmem>>
    %dma_start3A_50 = arith.constant 0 : i32
    %dma_start3A_51 = arith.constant 0 : i32
    %dma_start3A_52 = tpu.memref_slice %arg4[%dma_start3A_50, %dma_start3A_51] : memref<513x512xi32, #tpu.memory_space<hbm>> -> memref<513x512xi32, #tpu.memory_space<hbm>>
    tpu.enqueue_indirect_dma source(%dma_start3A_52 : memref<513x512xi32, #tpu.memory_space<hbm>>) target(%arg10 : memref<16x512xi32, #tpu.memory_space<vmem>>) offsets(%dma_start3A_49 : memref<16xi32, #tpu.memory_space<vmem>>) semaphore(%arg18 : memref<!tpu.dma_semaphore, #tpu.memory_space<semaphore_mem>>)
    %add3A_53 = arith.constant 32 : i32
    %add3A_54 = arith.addi %mul3A_2, %add3A_53 : i32
    %dma_start3A_55 = arith.constant 0 : i32
    %dma_start3A_56 = tpu.memref_slice %arg2[%add3A_54, %dma_start3A_55] : memref<32768x1024xf32, #tpu.memory_space<hbm>> -> memref<16x1024xf32, #tpu.memory_space<hbm>>
    %dma_start3A_57 = arith.constant 0 : i32
    %dma_start3A_58 = tpu.memref_slice %arg2[%add3A_54, %dma_start3A_57] : memref<32768x1024xf32, #tpu.memory_space<hbm>> -> memref<16x1024xf32, #tpu.memory_space<hbm>>
    tpu.enqueue_dma source(%dma_start3A_58 : memref<16x1024xf32, #tpu.memory_space<hbm>>) target(%arg13 : memref<16x1024xf32, #tpu.memory_space<vmem>>) target_semaphore(%arg21 : memref<!tpu.dma_semaphore, #tpu.memory_space<semaphore_mem>>)
    %dma_wait3A_59 = arith.constant 0 : i32
    %dma_wait3A_60 = arith.constant 0 : i32
    %dma_wait3A_61 = tpu.memref_slice %arg2[%dma_wait3A_59, %dma_wait3A_60] : memref<32768x1024xf32, #tpu.memory_space<hbm>> -> memref<16x1024xf32, #tpu.memory_space<hbm>>
    %dma_wait3A_62 = arith.constant 0 : i32
    %dma_wait3A_63 = arith.constant 0 : i32
    %dma_wait3A_64 = tpu.memref_slice %arg2[%dma_wait3A_62, %dma_wait3A_63] : memref<32768x1024xf32, #tpu.memory_space<hbm>> -> memref<16x1024xf32, #tpu.memory_space<hbm>>
    tpu.wait_dma2 semaphore(%arg20 : memref<!tpu.dma_semaphore, #tpu.memory_space<semaphore_mem>>) src(%dma_wait3A_64 : memref<16x1024xf32, #tpu.memory_space<hbm>>) dst(%arg12 : memref<16x1024xf32, #tpu.memory_space<vmem>>)
    %dma_wait3A_65 = arith.constant 0 : i32
    %dma_wait3A_66 = arith.constant 0 : i32
    %dma_wait3A_67 = tpu.memref_slice %arg4[%dma_wait3A_65, %dma_wait3A_66] : memref<513x512xi32, #tpu.memory_space<hbm>> -> memref<16x512xi32, #tpu.memory_space<hbm>>
    %dma_wait3A_68 = arith.constant 0 : i32
    %dma_wait3A_69 = arith.constant 0 : i32
    %dma_wait3A_70 = tpu.memref_slice %arg4[%dma_wait3A_68, %dma_wait3A_69] : memref<513x512xi32, #tpu.memory_space<hbm>> -> memref<16x512xi32, #tpu.memory_space<hbm>>
    tpu.wait_dma2 semaphore(%arg16 : memref<!tpu.dma_semaphore, #tpu.memory_space<semaphore_mem>>) src(%dma_wait3A_70 : memref<16x512xi32, #tpu.memory_space<hbm>>) dst(%arg8 : memref<16x512xi32, #tpu.memory_space<vmem>>)
    %parallel_loop3A_71 = arith.constant 0 : i32
    %parallel_loop3A_72 = arith.constant 512 : i32
    %parallel_loop3A_73 = arith.constant 1 : i32
    scf.for %parallel_loop3A_172 = %parallel_loop3A_71 to %parallel_loop3A_72 step %parallel_loop3A_73  : i32 {
      %parallel_loop3A_173 = arith.constant 32 : i32
      %parallel_loop3A_174 = arith.divsi %parallel_loop3A_172, %parallel_loop3A_173 : i32
      %parallel_loop3A_175 = arith.constant 0 : i32
      %parallel_loop3A_176 = arith.cmpi sgt, %parallel_loop3A_172, %parallel_loop3A_175 : i32
      %parallel_loop3A_177 = arith.extui %parallel_loop3A_176 : i1 to i32
      %parallel_loop3A_178 = arith.constant 0 : i32
      %parallel_loop3A_179 = arith.cmpi slt, %parallel_loop3A_172, %parallel_loop3A_178 : i32
      %parallel_loop3A_180 = arith.extui %parallel_loop3A_179 : i1 to i32
      %parallel_loop3A_181 = arith.subi %parallel_loop3A_177, %parallel_loop3A_180 : i32
      %parallel_loop3A_182 = arith.constant 0 : i32
      %parallel_loop3A_183 = arith.cmpi sgt, %parallel_loop3A_173, %parallel_loop3A_182 : i32
      %parallel_loop3A_184 = arith.extui %parallel_loop3A_183 : i1 to i32
      %parallel_loop3A_185 = arith.constant 0 : i32
      %parallel_loop3A_186 = arith.cmpi slt, %parallel_loop3A_173, %parallel_loop3A_185 : i32
      %parallel_loop3A_187 = arith.extui %parallel_loop3A_186 : i1 to i32
      %parallel_loop3A_188 = arith.subi %parallel_loop3A_184, %parallel_loop3A_187 : i32
      %parallel_loop3A_189 = arith.cmpi ne, %parallel_loop3A_181, %parallel_loop3A_188 : i32
      %parallel_loop3A_190 = arith.remsi %parallel_loop3A_172, %parallel_loop3A_173 : i32
      %parallel_loop3A_191 = arith.constant 0 : i32
      %parallel_loop3A_192 = arith.cmpi ne, %parallel_loop3A_190, %parallel_loop3A_191 : i32
      %parallel_loop3A_193 = arith.andi %parallel_loop3A_189, %parallel_loop3A_192 : i1
      %parallel_loop3A_194 = arith.constant 1 : i32
      %parallel_loop3A_195 = arith.subi %parallel_loop3A_174, %parallel_loop3A_194 : i32
      %parallel_loop3A_196 = arith.select %parallel_loop3A_193, %parallel_loop3A_195, %parallel_loop3A_174 : i32
      %parallel_loop3A_197 = arith.constant 32 : i32
      %parallel_loop3A_198 = arith.constant 0 : i32
      %parallel_loop3A_199 = arith.cmpi eq, %parallel_loop3A_197, %parallel_loop3A_198 : i32
      %parallel_loop3A_200 = arith.constant 1 : i32
      %parallel_loop3A_201 = arith.select %parallel_loop3A_199, %parallel_loop3A_200, %parallel_loop3A_197 : i32
      %parallel_loop3A_202 = arith.remsi %parallel_loop3A_172, %parallel_loop3A_201 : i32
      %parallel_loop3A_203 = arith.constant 0 : i32
      %parallel_loop3A_204 = arith.cmpi ne, %parallel_loop3A_202, %parallel_loop3A_203 : i32
      %parallel_loop3A_205 = arith.constant 0 : i32
      %parallel_loop3A_206 = arith.cmpi slt, %parallel_loop3A_202, %parallel_loop3A_205 : i32
      %parallel_loop3A_207 = arith.constant 0 : i32
      %parallel_loop3A_208 = arith.cmpi slt, %parallel_loop3A_201, %parallel_loop3A_207 : i32
      %parallel_loop3A_209 = arith.xori %parallel_loop3A_206, %parallel_loop3A_208 : i1
      %parallel_loop3A_210 = arith.andi %parallel_loop3A_209, %parallel_loop3A_204 : i1
      %parallel_loop3A_211 = arith.addi %parallel_loop3A_202, %parallel_loop3A_201 : i32
      %parallel_loop3A_212 = arith.select %parallel_loop3A_210, %parallel_loop3A_211, %parallel_loop3A_202 : i32
      %parallel_loop3A_213 = arith.constant 16 : i32
      %parallel_loop3A_214 = arith.muli %parallel_loop3A_212, %parallel_loop3A_213 : i32
      %parallel_loop3A_215 = arith.constant 2 : i32
      %parallel_loop3A_216 = arith.muli %parallel_loop3A_215, %parallel_loop3A_196 : i32
      %parallel_loop3A_217 = tpu.assume_multiple %parallel_loop3A_216, 2 : i32
      %parallel_loop3A_218 = tpu.memref_bitcast %arg8 : memref<16x512xi32, #tpu.memory_space<vmem>> -> memref<32x512xbf16, #tpu.memory_space<vmem>>
      %parallel_loop3A_219 = arith.index_cast %parallel_loop3A_217 : i32 to index
      %parallel_loop3A_220 = arith.index_cast %parallel_loop3A_214 : i32 to index
      %parallel_loop3A_221 = tpu.vector_load %parallel_loop3A_218[%parallel_loop3A_219, %parallel_loop3A_220] {strides = array<i32>} : memref<32x512xbf16, #tpu.memory_space<vmem>>, vector<2x16xbf16>,
      %parallel_loop3A_222 = vector.shape_cast %parallel_loop3A_221 : vector<2x16xbf16> to vector<2x16xbf16>
      %parallel_loop3A_223 = arith.extf %parallel_loop3A_222 : vector<2x16xbf16> to vector<2x16xf32>
      %parallel_loop3A_224 = vector.extract_strided_slice %parallel_loop3A_223 {offsets = [0, 0], sizes = [1, 16], strides = [1, 1]} : vector<2x16xf32> to vector<1x16xf32>
      %parallel_loop3A_225 = vector.shape_cast %parallel_loop3A_224 : vector<1x16xf32> to vector<16xf32>
      %parallel_loop3A_226 = arith.index_cast %parallel_loop3A_196 : i32 to index
      %parallel_loop3A_227 = arith.index_cast %parallel_loop3A_214 : i32 to index
      %parallel_loop3A_228 = tpu.vector_load %arg12[%parallel_loop3A_226, %parallel_loop3A_227] {strides = array<i32>} : memref<16x1024xf32, #tpu.memory_space<vmem>>, vector<1x16xf32>,
      %parallel_loop3A_229 = vector.shape_cast %parallel_loop3A_228 : vector<1x16xf32> to vector<16xf32>
      %parallel_loop3A_230 = vector.shape_cast %parallel_loop3A_225 : vector<16xf32> to vector<1x16xf32>
      tpu.vector_store %arg12[%parallel_loop3A_226, %parallel_loop3A_227], %parallel_loop3A_230 {add = true, strides = array<i32>} : memref<16x1024xf32, #tpu.memory_space<vmem>>, vector<1x16xf32>,
      %parallel_loop3A_231 = arith.constant 512 : i32
      %parallel_loop3A_232 = arith.addi %parallel_loop3A_214, %parallel_loop3A_231 : i32
      %parallel_loop3A_233 = vector.extract_strided_slice %parallel_loop3A_223 {offsets = [1, 0], sizes = [1, 16], strides = [1, 1]} : vector<2x16xf32> to vector<1x16xf32>
      %parallel_loop3A_234 = vector.shape_cast %parallel_loop3A_233 : vector<1x16xf32> to vector<16xf32>
      %parallel_loop3A_235 = arith.index_cast %parallel_loop3A_196 : i32 to index
      %parallel_loop3A_236 = arith.index_cast %parallel_loop3A_232 : i32 to index
      %parallel_loop3A_237 = tpu.vector_load %arg12[%parallel_loop3A_235, %parallel_loop3A_236] {strides = array<i32>} : memref<16x1024xf32, #tpu.memory_space<vmem>>, vector<1x16xf32>,
      %parallel_loop3A_238 = vector.shape_cast %parallel_loop3A_237 : vector<1x16xf32> to vector<16xf32>
      %parallel_loop3A_239 = vector.shape_cast %parallel_loop3A_234 : vector<16xf32> to vector<1x16xf32>
      tpu.vector_store %arg12[%parallel_loop3A_235, %parallel_loop3A_236], %parallel_loop3A_239 {add = true, strides = array<i32>} : memref<16x1024xf32, #tpu.memory_space<vmem>>, vector<1x16xf32>,
    } {sc.loop_unroll_factor = 8 : i64, sc.parallel_access}
    %add3A_74 = arith.constant 16 : i32
    %add3A_75 = arith.addi %mul3A_2, %add3A_74 : i32
    %dma_start3A_76 = arith.constant 0 : i32
    %dma_start3A_77 = tpu.memref_slice %arg5[%add3A_75, %dma_start3A_76] : memref<32768x1024xf32, #tpu.memory_space<hbm>> -> memref<16x1024xf32, #tpu.memory_space<hbm>>
    %dma_start3A_78 = arith.constant 0 : i32
    %dma_start3A_79 = tpu.memref_slice %arg5[%add3A_75, %dma_start3A_78] : memref<32768x1024xf32, #tpu.memory_space<hbm>> -> memref<16x1024xf32, #tpu.memory_space<hbm>>
    tpu.enqueue_dma source(%arg12 : memref<16x1024xf32, #tpu.memory_space<vmem>>) target(%dma_start3A_79 : memref<16x1024xf32, #tpu.memory_space<hbm>>) target_semaphore(%arg24 : memref<!tpu.dma_semaphore, #tpu.memory_space<semaphore_mem>>)
    %dma_start3A_80 = arith.constant 64 : i32
    %dma_start3A_81 = tpu.memref_slice %arg6[%dma_start3A_80] : memref<1024xi32, #tpu.memory_space<vmem>> -> memref<16xi32, #tpu.memory_space<vmem>>
    %dma_start3A_82 = arith.constant 0 : i32
    %dma_start3A_83 = arith.constant 0 : i32
    %dma_start3A_84 = tpu.memref_slice %arg4[%dma_start3A_82, %dma_start3A_83] : memref<513x512xi32, #tpu.memory_space<hbm>> -> memref<513x512xi32, #tpu.memory_space<hbm>>
    tpu.enqueue_indirect_dma source(%dma_start3A_84 : memref<513x512xi32, #tpu.memory_space<hbm>>) target(%arg7 : memref<16x512xi32, #tpu.memory_space<vmem>>) offsets(%dma_start3A_81 : memref<16xi32, #tpu.memory_space<vmem>>) semaphore(%arg15 : memref<!tpu.dma_semaphore, #tpu.memory_space<semaphore_mem>>)
    %add3A_85 = arith.constant 48 : i32
    %add3A_86 = arith.addi %mul3A_2, %add3A_85 : i32
    %dma_start3A_87 = arith.constant 0 : i32
    %dma_start3A_88 = tpu.memref_slice %arg2[%add3A_86, %dma_start3A_87] : memref<32768x1024xf32, #tpu.memory_space<hbm>> -> memref<16x1024xf32, #tpu.memory_space<hbm>>
    %dma_start3A_89 = arith.constant 0 : i32
    %dma_start3A_90 = tpu.memref_slice %arg2[%add3A_86, %dma_start3A_89] : memref<32768x1024xf32, #tpu.memory_space<hbm>> -> memref<16x1024xf32, #tpu.memory_space<hbm>>
    tpu.enqueue_dma source(%dma_start3A_90 : memref<16x1024xf32, #tpu.memory_space<hbm>>) target(%arg14 : memref<16x1024xf32, #tpu.memory_space<vmem>>) target_semaphore(%arg22 : memref<!tpu.dma_semaphore, #tpu.memory_space<semaphore_mem>>)
    %dma_wait3A_91 = arith.constant 0 : i32
    %dma_wait3A_92 = arith.constant 0 : i32
    %dma_wait3A_93 = tpu.memref_slice %arg2[%dma_wait3A_91, %dma_wait3A_92] : memref<32768x1024xf32, #tpu.memory_space<hbm>> -> memref<16x1024xf32, #tpu.memory_space<hbm>>
    %dma_wait3A_94 = arith.constant 0 : i32
    %dma_wait3A_95 = arith.constant 0 : i32
    %dma_wait3A_96 = tpu.memref_slice %arg2[%dma_wait3A_94, %dma_wait3A_95] : memref<32768x1024xf32, #tpu.memory_space<hbm>> -> memref<16x1024xf32, #tpu.memory_space<hbm>>
    tpu.wait_dma2 semaphore(%arg21 : memref<!tpu.dma_semaphore, #tpu.memory_space<semaphore_mem>>) src(%dma_wait3A_96 : memref<16x1024xf32, #tpu.memory_space<hbm>>) dst(%arg13 : memref<16x1024xf32, #tpu.memory_space<vmem>>)
    %dma_wait3A_97 = arith.constant 0 : i32
    %dma_wait3A_98 = arith.constant 0 : i32
    %dma_wait3A_99 = tpu.memref_slice %arg4[%dma_wait3A_97, %dma_wait3A_98] : memref<513x512xi32, #tpu.memory_space<hbm>> -> memref<16x512xi32, #tpu.memory_space<hbm>>
    %dma_wait3A_100 = arith.constant 0 : i32
    %dma_wait3A_101 = arith.constant 0 : i32
    %dma_wait3A_102 = tpu.memref_slice %arg4[%dma_wait3A_100, %dma_wait3A_101] : memref<513x512xi32, #tpu.memory_space<hbm>> -> memref<16x512xi32, #tpu.memory_space<hbm>>
    tpu.wait_dma2 semaphore(%arg17 : memref<!tpu.dma_semaphore, #tpu.memory_space<semaphore_mem>>) src(%dma_wait3A_102 : memref<16x512xi32, #tpu.memory_space<hbm>>) dst(%arg9 : memref<16x512xi32, #tpu.memory_space<vmem>>)
    %parallel_loop3A_103 = arith.constant 0 : i32
    %parallel_loop3A_104 = arith.constant 512 : i32
    %parallel_loop3A_105 = arith.constant 1 : i32
    scf.for %parallel_loop3A_172 = %parallel_loop3A_103 to %parallel_loop3A_104 step %parallel_loop3A_105  : i32 {
      %parallel_loop3A_173 = arith.constant 32 : i32
      %parallel_loop3A_174 = arith.divsi %parallel_loop3A_172, %parallel_loop3A_173 : i32
      %parallel_loop3A_175 = arith.constant 0 : i32
      %parallel_loop3A_176 = arith.cmpi sgt, %parallel_loop3A_172, %parallel_loop3A_175 : i32
      %parallel_loop3A_177 = arith.extui %parallel_loop3A_176 : i1 to i32
      %parallel_loop3A_178 = arith.constant 0 : i32
      %parallel_loop3A_179 = arith.cmpi slt, %parallel_loop3A_172, %parallel_loop3A_178 : i32
      %parallel_loop3A_180 = arith.extui %parallel_loop3A_179 : i1 to i32
      %parallel_loop3A_181 = arith.subi %parallel_loop3A_177, %parallel_loop3A_180 : i32
      %parallel_loop3A_182 = arith.constant 0 : i32
      %parallel_loop3A_183 = arith.cmpi sgt, %parallel_loop3A_173, %parallel_loop3A_182 : i32
      %parallel_loop3A_184 = arith.extui %parallel_loop3A_183 : i1 to i32
      %parallel_loop3A_185 = arith.constant 0 : i32
      %parallel_loop3A_186 = arith.cmpi slt, %parallel_loop3A_173, %parallel_loop3A_185 : i32
      %parallel_loop3A_187 = arith.extui %parallel_loop3A_186 : i1 to i32
      %parallel_loop3A_188 = arith.subi %parallel_loop3A_184, %parallel_loop3A_187 : i32
      %parallel_loop3A_189 = arith.cmpi ne, %parallel_loop3A_181, %parallel_loop3A_188 : i32
      %parallel_loop3A_190 = arith.remsi %parallel_loop3A_172, %parallel_loop3A_173 : i32
      %parallel_loop3A_191 = arith.constant 0 : i32
      %parallel_loop3A_192 = arith.cmpi ne, %parallel_loop3A_190, %parallel_loop3A_191 : i32
      %parallel_loop3A_193 = arith.andi %parallel_loop3A_189, %parallel_loop3A_192 : i1
      %parallel_loop3A_194 = arith.constant 1 : i32
      %parallel_loop3A_195 = arith.subi %parallel_loop3A_174, %parallel_loop3A_194 : i32
      %parallel_loop3A_196 = arith.select %parallel_loop3A_193, %parallel_loop3A_195, %parallel_loop3A_174 : i32
      %parallel_loop3A_197 = arith.constant 32 : i32
      %parallel_loop3A_198 = arith.constant 0 : i32
      %parallel_loop3A_199 = arith.cmpi eq, %parallel_loop3A_197, %parallel_loop3A_198 : i32
      %parallel_loop3A_200 = arith.constant 1 : i32
      %parallel_loop3A_201 = arith.select %parallel_loop3A_199, %parallel_loop3A_200, %parallel_loop3A_197 : i32
      %parallel_loop3A_202 = arith.remsi %parallel_loop3A_172, %parallel_loop3A_201 : i32
      %parallel_loop3A_203 = arith.constant 0 : i32
      %parallel_loop3A_204 = arith.cmpi ne, %parallel_loop3A_202, %parallel_loop3A_203 : i32
      %parallel_loop3A_205 = arith.constant 0 : i32
      %parallel_loop3A_206 = arith.cmpi slt, %parallel_loop3A_202, %parallel_loop3A_205 : i32
      %parallel_loop3A_207 = arith.constant 0 : i32
      %parallel_loop3A_208 = arith.cmpi slt, %parallel_loop3A_201, %parallel_loop3A_207 : i32
      %parallel_loop3A_209 = arith.xori %parallel_loop3A_206, %parallel_loop3A_208 : i1
      %parallel_loop3A_210 = arith.andi %parallel_loop3A_209, %parallel_loop3A_204 : i1
      %parallel_loop3A_211 = arith.addi %parallel_loop3A_202, %parallel_loop3A_201 : i32
      %parallel_loop3A_212 = arith.select %parallel_loop3A_210, %parallel_loop3A_211, %parallel_loop3A_202 : i32
      %parallel_loop3A_213 = arith.constant 16 : i32
      %parallel_loop3A_214 = arith.muli %parallel_loop3A_212, %parallel_loop3A_213 : i32
      %parallel_loop3A_215 = arith.constant 2 : i32
      %parallel_loop3A_216 = arith.muli %parallel_loop3A_215, %parallel_loop3A_196 : i32
      %parallel_loop3A_217 = tpu.assume_multiple %parallel_loop3A_216, 2 : i32
      %parallel_loop3A_218 = tpu.memref_bitcast %arg9 : memref<16x512xi32, #tpu.memory_space<vmem>> -> memref<32x512xbf16, #tpu.memory_space<vmem>>
      %parallel_loop3A_219 = arith.index_cast %parallel_loop3A_217 : i32 to index
      %parallel_loop3A_220 = arith.index_cast %parallel_loop3A_214 : i32 to index
      %parallel_loop3A_221 = tpu.vector_load %parallel_loop3A_218[%parallel_loop3A_219, %parallel_loop3A_220] {strides = array<i32>} : memref<32x512xbf16, #tpu.memory_space<vmem>>, vector<2x16xbf16>,
      %parallel_loop3A_222 = vector.shape_cast %parallel_loop3A_221 : vector<2x16xbf16> to vector<2x16xbf16>
      %parallel_loop3A_223 = arith.extf %parallel_loop3A_222 : vector<2x16xbf16> to vector<2x16xf32>
      %parallel_loop3A_224 = vector.extract_strided_slice %parallel_loop3A_223 {offsets = [0, 0], sizes = [1, 16], strides = [1, 1]} : vector<2x16xf32> to vector<1x16xf32>
      %parallel_loop3A_225 = vector.shape_cast %parallel_loop3A_224 : vector<1x16xf32> to vector<16xf32>
      %parallel_loop3A_226 = arith.index_cast %parallel_loop3A_196 : i32 to index
      %parallel_loop3A_227 = arith.index_cast %parallel_loop3A_214 : i32 to index
      %parallel_loop3A_228 = tpu.vector_load %arg13[%parallel_loop3A_226, %parallel_loop3A_227] {strides = array<i32>} : memref<16x1024xf32, #tpu.memory_space<vmem>>, vector<1x16xf32>,
      %parallel_loop3A_229 = vector.shape_cast %parallel_loop3A_228 : vector<1x16xf32> to vector<16xf32>
      %parallel_loop3A_230 = vector.shape_cast %parallel_loop3A_225 : vector<16xf32> to vector<1x16xf32>
      tpu.vector_store %arg13[%parallel_loop3A_226, %parallel_loop3A_227], %parallel_loop3A_230 {add = true, strides = array<i32>} : memref<16x1024xf32, #tpu.memory_space<vmem>>, vector<1x16xf32>,
      %parallel_loop3A_231 = arith.constant 512 : i32
      %parallel_loop3A_232 = arith.addi %parallel_loop3A_214, %parallel_loop3A_231 : i32
      %parallel_loop3A_233 = vector.extract_strided_slice %parallel_loop3A_223 {offsets = [1, 0], sizes = [1, 16], strides = [1, 1]} : vector<2x16xf32> to vector<1x16xf32>
      %parallel_loop3A_234 = vector.shape_cast %parallel_loop3A_233 : vector<1x16xf32> to vector<16xf32>
      %parallel_loop3A_235 = arith.index_cast %parallel_loop3A_196 : i32 to index
      %parallel_loop3A_236 = arith.index_cast %parallel_loop3A_232 : i32 to index
      %parallel_loop3A_237 = tpu.vector_load %arg13[%parallel_loop3A_235, %parallel_loop3A_236] {strides = array<i32>} : memref<16x1024xf32, #tpu.memory_space<vmem>>, vector<1x16xf32>,
      %parallel_loop3A_238 = vector.shape_cast %parallel_loop3A_237 : vector<1x16xf32> to vector<16xf32>
      %parallel_loop3A_239 = vector.shape_cast %parallel_loop3A_234 : vector<16xf32> to vector<1x16xf32>
      tpu.vector_store %arg13[%parallel_loop3A_235, %parallel_loop3A_236], %parallel_loop3A_239 {add = true, strides = array<i32>} : memref<16x1024xf32, #tpu.memory_space<vmem>>, vector<1x16xf32>,
    } {sc.loop_unroll_factor = 8 : i64, sc.parallel_access}
    %add3A_106 = arith.constant 32 : i32
    %add3A_107 = arith.addi %mul3A_2, %add3A_106 : i32
    %dma_start3A_108 = arith.constant 0 : i32
    %dma_start3A_109 = tpu.memref_slice %arg5[%add3A_107, %dma_start3A_108] : memref<32768x1024xf32, #tpu.memory_space<hbm>> -> memref<16x1024xf32, #tpu.memory_space<hbm>>
    %dma_start3A_110 = arith.constant 0 : i32
    %dma_start3A_111 = tpu.memref_slice %arg5[%add3A_107, %dma_start3A_110] : memref<32768x1024xf32, #tpu.memory_space<hbm>> -> memref<16x1024xf32, #tpu.memory_space<hbm>>
    tpu.enqueue_dma source(%arg13 : memref<16x1024xf32, #tpu.memory_space<vmem>>) target(%dma_start3A_111 : memref<16x1024xf32, #tpu.memory_space<hbm>>) target_semaphore(%arg25 : memref<!tpu.dma_semaphore, #tpu.memory_space<semaphore_mem>>)
    %dma_start3A_112 = arith.constant 80 : i32
    %dma_start3A_113 = tpu.memref_slice %arg6[%dma_start3A_112] : memref<1024xi32, #tpu.memory_space<vmem>> -> memref<16xi32, #tpu.memory_space<vmem>>
    %dma_start3A_114 = arith.constant 0 : i32
    %dma_start3A_115 = arith.constant 0 : i32
    %dma_start3A_116 = tpu.memref_slice %arg4[%dma_start3A_114, %dma_start3A_115] : memref<513x512xi32, #tpu.memory_space<hbm>> -> memref<513x512xi32, #tpu.memory_space<hbm>>
    tpu.enqueue_indirect_dma source(%dma_start3A_116 : memref<513x512xi32, #tpu.memory_space<hbm>>) target(%arg8 : memref<16x512xi32, #tpu.memory_space<vmem>>) offsets(%dma_start3A_113 : memref<16xi32, #tpu.memory_space<vmem>>) semaphore(%arg16 : memref<!tpu.dma_semaphore, #tpu.memory_space<semaphore_mem>>)
    %dma_wait3A_117 = arith.constant 0 : i32
    %dma_wait3A_118 = arith.constant 0 : i32
    %dma_wait3A_119 = tpu.memref_slice %arg5[%dma_wait3A_117, %dma_wait3A_118] : memref<32768x1024xf32, #tpu.memory_space<hbm>> -> memref<16x1024xf32, #tpu.memory_space<hbm>>
    %dma_wait3A_120 = arith.constant 0 : i32
    %dma_wait3A_121 = arith.constant 0 : i32
    %dma_wait3A_122 = tpu.memref_slice %arg5[%dma_wait3A_120, %dma_wait3A_121] : memref<32768x1024xf32, #tpu.memory_space<hbm>> -> memref<16x1024xf32, #tpu.memory_space<hbm>>
    tpu.wait_dma2 semaphore(%arg23 : memref<!tpu.dma_semaphore, #tpu.memory_space<semaphore_mem>>) src(%arg11 : memref<16x1024xf32, #tpu.memory_space<vmem>>) dst(%dma_wait3A_122 : memref<16x1024xf32, #tpu.memory_space<hbm>>)
    %add3A_123 = arith.constant 64 : i32
    %add3A_124 = arith.addi %mul3A_2, %add3A_123 : i32
    %dma_start3A_125 = arith.constant 0 : i32
    %dma_start3A_126 = tpu.memref_slice %arg2[%add3A_124, %dma_start3A_125] : memref<32768x1024xf32, #tpu.memory_space<hbm>> -> memref<16x1024xf32, #tpu.memory_space<hbm>>
    %dma_start3A_127 = arith.constant 0 : i32
    %dma_start3A_128 = tpu.memref_slice %arg2[%add3A_124, %dma_start3A_127] : memref<32768x1024xf32, #tpu.memory_space<hbm>> -> memref<16x1024xf32, #tpu.memory_space<hbm>>
    tpu.enqueue_dma source(%dma_start3A_128 : memref<16x1024xf32, #tpu.memory_space<hbm>>) target(%arg11 : memref<16x1024xf32, #tpu.memory_space<vmem>>) target_semaphore(%arg19 : memref<!tpu.dma_semaphore, #tpu.memory_space<semaphore_mem>>)
    %dma_wait3A_129 = arith.constant 0 : i32
    %dma_wait3A_130 = arith.constant 0 : i32
    %dma_wait3A_131 = tpu.memref_slice %arg2[%dma_wait3A_129, %dma_wait3A_130] : memref<32768x1024xf32, #tpu.memory_space<hbm>> -> memref<16x1024xf32, #tpu.memory_space<hbm>>
    %dma_wait3A_132 = arith.constant 0 : i32
    %dma_wait3A_133 = arith.constant 0 : i32
    %dma_wait3A_134 = tpu.memref_slice %arg2[%dma_wait3A_132, %dma_wait3A_133] : memref<32768x1024xf32, #tpu.memory_space<hbm>> -> memref<16x1024xf32, #tpu.memory_space<hbm>>
    tpu.wait_dma2 semaphore(%arg22 : memref<!tpu.dma_semaphore, #tpu.memory_space<semaphore_mem>>) src(%dma_wait3A_134 : memref<16x1024xf32, #tpu.memory_space<hbm>>) dst(%arg14 : memref<16x1024xf32, #tpu.memory_space<vmem>>)
    %dma_wait3A_135 = arith.constant 0 : i32
    %dma_wait3A_136 = arith.constant 0 : i32
    %dma_wait3A_137 = tpu.memref_slice %arg4[%dma_wait3A_135, %dma_wait3A_136] : memref<513x512xi32, #tpu.memory_space<hbm>> -> memref<16x512xi32, #tpu.memory_space<hbm>>
    %dma_wait3A_138 = arith.constant 0 : i32
    %dma_wait3A_139 = arith.constant 0 : i32
    %dma_wait3A_140 = tpu.memref_slice %arg4[%dma_wait3A_138, %dma_wait3A_139] : memref<513x512xi32, #tpu.memory_space<hbm>> -> memref<16x512xi32, #tpu.memory_space<hbm>>
    tpu.wait_dma2 semaphore(%arg18 : memref<!tpu.dma_semaphore, #tpu.memory_space<semaphore_mem>>) src(%dma_wait3A_140 : memref<16x512xi32, #tpu.memory_space<hbm>>) dst(%arg10 : memref<16x512xi32, #tpu.memory_space<vmem>>)
    %parallel_loop3A_141 = arith.constant 0 : i32
    %parallel_loop3A_142 = arith.constant 512 : i32
    %parallel_loop3A_143 = arith.constant 1 : i32
    scf.for %parallel_loop3A_172 = %parallel_loop3A_141 to %parallel_loop3A_142 step %parallel_loop3A_143  : i32 {
      %parallel_loop3A_173 = arith.constant 32 : i32
      %parallel_loop3A_174 = arith.divsi %parallel_loop3A_172, %parallel_loop3A_173 : i32
      %parallel_loop3A_175 = arith.constant 0 : i32
      %parallel_loop3A_176 = arith.cmpi sgt, %parallel_loop3A_172, %parallel_loop3A_175 : i32
      %parallel_loop3A_177 = arith.extui %parallel_loop3A_176 : i1 to i32
      %parallel_loop3A_178 = arith.constant 0 : i32
      %parallel_loop3A_179 = arith.cmpi slt, %parallel_loop3A_172, %parallel_loop3A_178 : i32
      %parallel_loop3A_180 = arith.extui %parallel_loop3A_179 : i1 to i32
      %parallel_loop3A_181 = arith.subi %parallel_loop3A_177, %parallel_loop3A_180 : i32
      %parallel_loop3A_182 = arith.constant 0 : i32
      %parallel_loop3A_183 = arith.cmpi sgt, %parallel_loop3A_173, %parallel_loop3A_182 : i32
      %parallel_loop3A_184 = arith.extui %parallel_loop3A_183 : i1 to i32
      %parallel_loop3A_185 = arith.constant 0 : i32
      %parallel_loop3A_186 = arith.cmpi slt, %parallel_loop3A_173, %parallel_loop3A_185 : i32
      %parallel_loop3A_187 = arith.extui %parallel_loop3A_186 : i1 to i32
      %parallel_loop3A_188 = arith.subi %parallel_loop3A_184, %parallel_loop3A_187 : i32
      %parallel_loop3A_189 = arith.cmpi ne, %parallel_loop3A_181, %parallel_loop3A_188 : i32
      %parallel_loop3A_190 = arith.remsi %parallel_loop3A_172, %parallel_loop3A_173 : i32
      %parallel_loop3A_191 = arith.constant 0 : i32
      %parallel_loop3A_192 = arith.cmpi ne, %parallel_loop3A_190, %parallel_loop3A_191 : i32
      %parallel_loop3A_193 = arith.andi %parallel_loop3A_189, %parallel_loop3A_192 : i1
      %parallel_loop3A_194 = arith.constant 1 : i32
      %parallel_loop3A_195 = arith.subi %parallel_loop3A_174, %parallel_loop3A_194 : i32
      %parallel_loop3A_196 = arith.select %parallel_loop3A_193, %parallel_loop3A_195, %parallel_loop3A_174 : i32
      %parallel_loop3A_197 = arith.constant 32 : i32
      %parallel_loop3A_198 = arith.constant 0 : i32
      %parallel_loop3A_199 = arith.cmpi eq, %parallel_loop3A_197, %parallel_loop3A_198 : i32
      %parallel_loop3A_200 = arith.constant 1 : i32
      %parallel_loop3A_201 = arith.select %parallel_loop3A_199, %parallel_loop3A_200, %parallel_loop3A_197 : i32
      %parallel_loop3A_202 = arith.remsi %parallel_loop3A_172, %parallel_loop3A_201 : i32
      %parallel_loop3A_203 = arith.constant 0 : i32
      %parallel_loop3A_204 = arith.cmpi ne, %parallel_loop3A_202, %parallel_loop3A_203 : i32
      %parallel_loop3A_205 = arith.constant 0 : i32
      %parallel_loop3A_206 = arith.cmpi slt, %parallel_loop3A_202, %parallel_loop3A_205 : i32
      %parallel_loop3A_207 = arith.constant 0 : i32
      %parallel_loop3A_208 = arith.cmpi slt, %parallel_loop3A_201, %parallel_loop3A_207 : i32
      %parallel_loop3A_209 = arith.xori %parallel_loop3A_206, %parallel_loop3A_208 : i1
      %parallel_loop3A_210 = arith.andi %parallel_loop3A_209, %parallel_loop3A_204 : i1
      %parallel_loop3A_211 = arith.addi %parallel_loop3A_202, %parallel_loop3A_201 : i32
      %parallel_loop3A_212 = arith.select %parallel_loop3A_210, %parallel_loop3A_211, %parallel_loop3A_202 : i32
      %parallel_loop3A_213 = arith.constant 16 : i32
      %parallel_loop3A_214 = arith.muli %parallel_loop3A_212, %parallel_loop3A_213 : i32
      %parallel_loop3A_215 = arith.constant 2 : i32
      %parallel_loop3A_216 = arith.muli %parallel_loop3A_215, %parallel_loop3A_196 : i32
      %parallel_loop3A_217 = tpu.assume_multiple %parallel_loop3A_216, 2 : i32
      %parallel_loop3A_218 = tpu.memref_bitcast %arg10 : memref<16x512xi32, #tpu.memory_space<vmem>> -> memref<32x512xbf16, #tpu.memory_space<vmem>>
      %parallel_loop3A_219 = arith.index_cast %parallel_loop3A_217 : i32 to index
      %parallel_loop3A_220 = arith.index_cast %parallel_loop3A_214 : i32 to index
      %parallel_loop3A_221 = tpu.vector_load %parallel_loop3A_218[%parallel_loop3A_219, %parallel_loop3A_220] {strides = array<i32>} : memref<32x512xbf16, #tpu.memory_space<vmem>>, vector<2x16xbf16>,
      %parallel_loop3A_222 = vector.shape_cast %parallel_loop3A_221 : vector<2x16xbf16> to vector<2x16xbf16>
      %parallel_loop3A_223 = arith.extf %parallel_loop3A_222 : vector<2x16xbf16> to vector<2x16xf32>
      %parallel_loop3A_224 = vector.extract_strided_slice %parallel_loop3A_223 {offsets = [0, 0], sizes = [1, 16], strides = [1, 1]} : vector<2x16xf32> to vector<1x16xf32>
      %parallel_loop3A_225 = vector.shape_cast %parallel_loop3A_224 : vector<1x16xf32> to vector<16xf32>
      %parallel_loop3A_226 = arith.index_cast %parallel_loop3A_196 : i32 to index
      %parallel_loop3A_227 = arith.index_cast %parallel_loop3A_214 : i32 to index
      %parallel_loop3A_228 = tpu.vector_load %arg14[%parallel_loop3A_226, %parallel_loop3A_227] {strides = array<i32>} : memref<16x1024xf32, #tpu.memory_space<vmem>>, vector<1x16xf32>,
      %parallel_loop3A_229 = vector.shape_cast %parallel_loop3A_228 : vector<1x16xf32> to vector<16xf32>
      %parallel_loop3A_230 = vector.shape_cast %parallel_loop3A_225 : vector<16xf32> to vector<1x16xf32>
      tpu.vector_store %arg14[%parallel_loop3A_226, %parallel_loop3A_227], %parallel_loop3A_230 {add = true, strides = array<i32>} : memref<16x1024xf32, #tpu.memory_space<vmem>>, vector<1x16xf32>,
      %parallel_loop3A_231 = arith.constant 512 : i32
      %parallel_loop3A_232 = arith.addi %parallel_loop3A_214, %parallel_loop3A_231 : i32
      %parallel_loop3A_233 = vector.extract_strided_slice %parallel_loop3A_223 {offsets = [1, 0], sizes = [1, 16], strides = [1, 1]} : vector<2x16xf32> to vector<1x16xf32>
      %parallel_loop3A_234 = vector.shape_cast %parallel_loop3A_233 : vector<1x16xf32> to vector<16xf32>
      %parallel_loop3A_235 = arith.index_cast %parallel_loop3A_196 : i32 to index
      %parallel_loop3A_236 = arith.index_cast %parallel_loop3A_232 : i32 to index
      %parallel_loop3A_237 = tpu.vector_load %arg14[%parallel_loop3A_235, %parallel_loop3A_236] {strides = array<i32>} : memref<16x1024xf32, #tpu.memory_space<vmem>>, vector<1x16xf32>,
      %parallel_loop3A_238 = vector.shape_cast %parallel_loop3A_237 : vector<1x16xf32> to vector<16xf32>
      %parallel_loop3A_239 = vector.shape_cast %parallel_loop3A_234 : vector<16xf32> to vector<1x16xf32>
      tpu.vector_store %arg14[%parallel_loop3A_235, %parallel_loop3A_236], %parallel_loop3A_239 {add = true, strides = array<i32>} : memref<16x1024xf32, #tpu.memory_space<vmem>>, vector<1x16xf32>,
    } {sc.loop_unroll_factor = 8 : i64, sc.parallel_access}
    %add3A_144 = arith.constant 48 : i32
    %add3A_145 = arith.addi %mul3A_2, %add3A_144 : i32
    %dma_start3A_146 = arith.constant 0 : i32
    %dma_start3A_147 = tpu.memref_slice %arg5[%add3A_145, %dma_start3A_146] : memref<32768x1024xf32, #tpu.memory_space<hbm>> -> memref<16x1024xf32, #tpu.memory_space<hbm>>
    %dma_start3A_148 = arith.constant 0 : i32
    %dma_start3A_149 = tpu.memref_slice %arg5[%add3A_145, %dma_start3A_148] : memref<32768x1024xf32, #tpu.memory_space<hbm>> -> memref<16x1024xf32, #tpu.memory_space<hbm>>
    tpu.enqueue_dma source(%arg14 : memref<16x1024xf32, #tpu.memory_space<vmem>>) target(%dma_start3A_149 : memref<16x1024xf32, #tpu.memory_space<hbm>>) target_semaphore(%arg26 : memref<!tpu.dma_semaphore, #tpu.memory_space<semaphore_mem>>)
    %scan3A = arith.constant 1 : i32
    %scan3A_150 = arith.constant 15 : i32
    %scan3A_151 = arith.addi %scan3A, %scan3A_150 : i32
    %scan3A_152 = arith.constant 1 : i32
    scf.for %scan3A_172 = %scan3A to %scan3A_151 step %scan3A_152  : i32 {
      %mul3A_173 = arith.constant 4 : i32
      %mul3A_174 = arith.muli %mul3A_173, %scan3A_172 : i32
      %add3A_175 = arith.constant 0 : i32
      %add3A_176 = arith.addi %mul3A_174, %add3A_175 : i32
      %dma_wait3A_177 = arith.constant 0 : i32
      %dma_wait3A_178 = arith.constant 0 : i32
      %dma_wait3A_179 = tpu.memref_slice %arg5[%dma_wait3A_177, %dma_wait3A_178] : memref<32768x1024xf32, #tpu.memory_space<hbm>> -> memref<16x1024xf32, #tpu.memory_space<hbm>>
      %dma_wait3A_180 = arith.constant 0 : i32
      %dma_wait3A_181 = arith.constant 0 : i32
      %dma_wait3A_182 = tpu.memref_slice %arg5[%dma_wait3A_180, %dma_wait3A_181] : memref<32768x1024xf32, #tpu.memory_space<hbm>> -> memref<16x1024xf32, #tpu.memory_space<hbm>>
      tpu.wait_dma2 semaphore(%arg24 : memref<!tpu.dma_semaphore, #tpu.memory_space<semaphore_mem>>) src(%arg12 : memref<16x1024xf32, #tpu.memory_space<vmem>>) dst(%dma_wait3A_182 : memref<16x1024xf32, #tpu.memory_space<hbm>>)
      %add3A_183 = arith.constant 1 : i32
      %add3A_184 = arith.addi %add3A_176, %add3A_183 : i32
      %lt3A = arith.constant 64 : i32
      %lt3A_185 = arith.cmpi slt, %add3A_184, %lt3A : i32
      %convert_element_type3A = arith.extui %lt3A_185 : i1 to i32
      %cond3A = arith.constant 0 : i32
      %cond3A_186 = arith.cmpi ne, %convert_element_type3A, %cond3A : i32
      scf.if %cond3A_186 {
        %add3A_354 = arith.constant 1 : i32
        %add3A_355 = arith.addi %add3A_176, %add3A_354 : i32
        %mul3A_356 = arith.constant 16 : i32
        %mul3A_357 = arith.muli %add3A_355, %mul3A_356 : i32
        %add3A_358 = arith.addi %mul3A_2, %mul3A_357 : i32
        %dma_start3A_359 = arith.constant 0 : i32
        %dma_start3A_360 = tpu.memref_slice %arg2[%add3A_358, %dma_start3A_359] : memref<32768x1024xf32, #tpu.memory_space<hbm>> -> memref<16x1024xf32, #tpu.memory_space<hbm>>
        %dma_start3A_361 = arith.constant 0 : i32
        %dma_start3A_362 = tpu.memref_slice %arg2[%add3A_358, %dma_start3A_361] : memref<32768x1024xf32, #tpu.memory_space<hbm>> -> memref<16x1024xf32, #tpu.memory_space<hbm>>
        tpu.enqueue_dma source(%dma_start3A_362 : memref<16x1024xf32, #tpu.memory_space<hbm>>) target(%arg12 : memref<16x1024xf32, #tpu.memory_space<vmem>>) target_semaphore(%arg20 : memref<!tpu.dma_semaphore, #tpu.memory_space<semaphore_mem>>)
      } else {
      }
      %add3A_187 = arith.constant 2 : i32
      %add3A_188 = arith.addi %add3A_176, %add3A_187 : i32
      %lt3A_189 = arith.constant 64 : i32
      %lt3A_190 = arith.cmpi slt, %add3A_188, %lt3A_189 : i32
      %convert_element_type3A_191 = arith.extui %lt3A_190 : i1 to i32
      %cond3A_192 = arith.constant 0 : i32
      %cond3A_193 = arith.cmpi ne, %convert_element_type3A_191, %cond3A_192 : i32
      scf.if %cond3A_193 {
        %add3A_354 = arith.constant 2 : i32
        %add3A_355 = arith.addi %add3A_176, %add3A_354 : i32
        %mul3A_356 = arith.constant 16 : i32
        %mul3A_357 = arith.muli %add3A_355, %mul3A_356 : i32
        %dma_start3A_358 = tpu.memref_slice %arg6[%mul3A_357] : memref<1024xi32, #tpu.memory_space<vmem>> -> memref<16xi32, #tpu.memory_space<vmem>>
        %dma_start3A_359 = arith.constant 0 : i32
        %dma_start3A_360 = arith.constant 0 : i32
        %dma_start3A_361 = tpu.memref_slice %arg4[%dma_start3A_359, %dma_start3A_360] : memref<513x512xi32, #tpu.memory_space<hbm>> -> memref<513x512xi32, #tpu.memory_space<hbm>>
        tpu.enqueue_indirect_dma source(%dma_start3A_361 : memref<513x512xi32, #tpu.memory_space<hbm>>) target(%arg9 : memref<16x512xi32, #tpu.memory_space<vmem>>) offsets(%dma_start3A_358 : memref<16xi32, #tpu.memory_space<vmem>>) semaphore(%arg17 : memref<!tpu.dma_semaphore, #tpu.memory_space<semaphore_mem>>)
      } else {
      }
      %dma_wait3A_194 = arith.constant 0 : i32
      %dma_wait3A_195 = arith.constant 0 : i32
      %dma_wait3A_196 = tpu.memref_slice %arg2[%dma_wait3A_194, %dma_wait3A_195] : memref<32768x1024xf32, #tpu.memory_space<hbm>> -> memref<16x1024xf32, #tpu.memory_space<hbm>>
      %dma_wait3A_197 = arith.constant 0 : i32
      %dma_wait3A_198 = arith.constant 0 : i32
      %dma_wait3A_199 = tpu.memref_slice %arg2[%dma_wait3A_197, %dma_wait3A_198] : memref<32768x1024xf32, #tpu.memory_space<hbm>> -> memref<16x1024xf32, #tpu.memory_space<hbm>>
      tpu.wait_dma2 semaphore(%arg19 : memref<!tpu.dma_semaphore, #tpu.memory_space<semaphore_mem>>) src(%dma_wait3A_199 : memref<16x1024xf32, #tpu.memory_space<hbm>>) dst(%arg11 : memref<16x1024xf32, #tpu.memory_space<vmem>>)
      %dma_wait3A_200 = arith.constant 0 : i32
      %dma_wait3A_201 = arith.constant 0 : i32
      %dma_wait3A_202 = tpu.memref_slice %arg4[%dma_wait3A_200, %dma_wait3A_201] : memref<513x512xi32, #tpu.memory_space<hbm>> -> memref<16x512xi32, #tpu.memory_space<hbm>>
      %dma_wait3A_203 = arith.constant 0 : i32
      %dma_wait3A_204 = arith.constant 0 : i32
      %dma_wait3A_205 = tpu.memref_slice %arg4[%dma_wait3A_203, %dma_wait3A_204] : memref<513x512xi32, #tpu.memory_space<hbm>> -> memref<16x512xi32, #tpu.memory_space<hbm>>
      tpu.wait_dma2 semaphore(%arg15 : memref<!tpu.dma_semaphore, #tpu.memory_space<semaphore_mem>>) src(%dma_wait3A_205 : memref<16x512xi32, #tpu.memory_space<hbm>>) dst(%arg7 : memref<16x512xi32, #tpu.memory_space<vmem>>)
      %parallel_loop3A_206 = arith.constant 0 : i32
      %parallel_loop3A_207 = arith.constant 512 : i32
      %parallel_loop3A_208 = arith.constant 1 : i32
      scf.for %parallel_loop3A_354 = %parallel_loop3A_206 to %parallel_loop3A_207 step %parallel_loop3A_208  : i32 {
        %parallel_loop3A_355 = arith.constant 32 : i32
        %parallel_loop3A_356 = arith.divsi %parallel_loop3A_354, %parallel_loop3A_355 : i32
        %parallel_loop3A_357 = arith.constant 0 : i32
        %parallel_loop3A_358 = arith.cmpi sgt, %parallel_loop3A_354, %parallel_loop3A_357 : i32
        %parallel_loop3A_359 = arith.extui %parallel_loop3A_358 : i1 to i32
        %parallel_loop3A_360 = arith.constant 0 : i32
        %parallel_loop3A_361 = arith.cmpi slt, %parallel_loop3A_354, %parallel_loop3A_360 : i32
        %parallel_loop3A_362 = arith.extui %parallel_loop3A_361 : i1 to i32
        %parallel_loop3A_363 = arith.subi %parallel_loop3A_359, %parallel_loop3A_362 : i32
        %parallel_loop3A_364 = arith.constant 0 : i32
        %parallel_loop3A_365 = arith.cmpi sgt, %parallel_loop3A_355, %parallel_loop3A_364 : i32
        %parallel_loop3A_366 = arith.extui %parallel_loop3A_365 : i1 to i32
        %parallel_loop3A_367 = arith.constant 0 : i32
        %parallel_loop3A_368 = arith.cmpi slt, %parallel_loop3A_355, %parallel_loop3A_367 : i32
        %parallel_loop3A_369 = arith.extui %parallel_loop3A_368 : i1 to i32
        %parallel_loop3A_370 = arith.subi %parallel_loop3A_366, %parallel_loop3A_369 : i32
        %parallel_loop3A_371 = arith.cmpi ne, %parallel_loop3A_363, %parallel_loop3A_370 : i32
        %parallel_loop3A_372 = arith.remsi %parallel_loop3A_354, %parallel_loop3A_355 : i32
        %parallel_loop3A_373 = arith.constant 0 : i32
        %parallel_loop3A_374 = arith.cmpi ne, %parallel_loop3A_372, %parallel_loop3A_373 : i32
        %parallel_loop3A_375 = arith.andi %parallel_loop3A_371, %parallel_loop3A_374 : i1
        %parallel_loop3A_376 = arith.constant 1 : i32
        %parallel_loop3A_377 = arith.subi %parallel_loop3A_356, %parallel_loop3A_376 : i32
        %parallel_loop3A_378 = arith.select %parallel_loop3A_375, %parallel_loop3A_377, %parallel_loop3A_356 : i32
        %parallel_loop3A_379 = arith.constant 32 : i32
        %parallel_loop3A_380 = arith.constant 0 : i32
        %parallel_loop3A_381 = arith.cmpi eq, %parallel_loop3A_379, %parallel_loop3A_380 : i32
        %parallel_loop3A_382 = arith.constant 1 : i32
        %parallel_loop3A_383 = arith.select %parallel_loop3A_381, %parallel_loop3A_382, %parallel_loop3A_379 : i32
        %parallel_loop3A_384 = arith.remsi %parallel_loop3A_354, %parallel_loop3A_383 : i32
        %parallel_loop3A_385 = arith.constant 0 : i32
        %parallel_loop3A_386 = arith.cmpi ne, %parallel_loop3A_384, %parallel_loop3A_385 : i32
        %parallel_loop3A_387 = arith.constant 0 : i32
        %parallel_loop3A_388 = arith.cmpi slt, %parallel_loop3A_384, %parallel_loop3A_387 : i32
        %parallel_loop3A_389 = arith.constant 0 : i32
        %parallel_loop3A_390 = arith.cmpi slt, %parallel_loop3A_383, %parallel_loop3A_389 : i32
        %parallel_loop3A_391 = arith.xori %parallel_loop3A_388, %parallel_loop3A_390 : i1
        %parallel_loop3A_392 = arith.andi %parallel_loop3A_391, %parallel_loop3A_386 : i1
        %parallel_loop3A_393 = arith.addi %parallel_loop3A_384, %parallel_loop3A_383 : i32
        %parallel_loop3A_394 = arith.select %parallel_loop3A_392, %parallel_loop3A_393, %parallel_loop3A_384 : i32
        %parallel_loop3A_395 = arith.constant 16 : i32
        %parallel_loop3A_396 = arith.muli %parallel_loop3A_394, %parallel_loop3A_395 : i32
        %parallel_loop3A_397 = arith.constant 2 : i32
        %parallel_loop3A_398 = arith.muli %parallel_loop3A_397, %parallel_loop3A_378 : i32
        %parallel_loop3A_399 = tpu.assume_multiple %parallel_loop3A_398, 2 : i32
        %parallel_loop3A_400 = tpu.memref_bitcast %arg7 : memref<16x512xi32, #tpu.memory_space<vmem>> -> memref<32x512xbf16, #tpu.memory_space<vmem>>
        %parallel_loop3A_401 = arith.index_cast %parallel_loop3A_399 : i32 to index
        %parallel_loop3A_402 = arith.index_cast %parallel_loop3A_396 : i32 to index
        %parallel_loop3A_403 = tpu.vector_load %parallel_loop3A_400[%parallel_loop3A_401, %parallel_loop3A_402] {strides = array<i32>} : memref<32x512xbf16, #tpu.memory_space<vmem>>, vector<2x16xbf16>,
        %parallel_loop3A_404 = vector.shape_cast %parallel_loop3A_403 : vector<2x16xbf16> to vector<2x16xbf16>
        %parallel_loop3A_405 = arith.extf %parallel_loop3A_404 : vector<2x16xbf16> to vector<2x16xf32>
        %parallel_loop3A_406 = vector.extract_strided_slice %parallel_loop3A_405 {offsets = [0, 0], sizes = [1, 16], strides = [1, 1]} : vector<2x16xf32> to vector<1x16xf32>
        %parallel_loop3A_407 = vector.shape_cast %parallel_loop3A_406 : vector<1x16xf32> to vector<16xf32>
        %parallel_loop3A_408 = arith.index_cast %parallel_loop3A_378 : i32 to index
        %parallel_loop3A_409 = arith.index_cast %parallel_loop3A_396 : i32 to index
        %parallel_loop3A_410 = tpu.vector_load %arg11[%parallel_loop3A_408, %parallel_loop3A_409] {strides = array<i32>} : memref<16x1024xf32, #tpu.memory_space<vmem>>, vector<1x16xf32>,
        %parallel_loop3A_411 = vector.shape_cast %parallel_loop3A_410 : vector<1x16xf32> to vector<16xf32>
        %parallel_loop3A_412 = vector.shape_cast %parallel_loop3A_407 : vector<16xf32> to vector<1x16xf32>
        tpu.vector_store %arg11[%parallel_loop3A_408, %parallel_loop3A_409], %parallel_loop3A_412 {add = true, strides = array<i32>} : memref<16x1024xf32, #tpu.memory_space<vmem>>, vector<1x16xf32>,
        %parallel_loop3A_413 = arith.constant 512 : i32
        %parallel_loop3A_414 = arith.addi %parallel_loop3A_396, %parallel_loop3A_413 : i32
        %parallel_loop3A_415 = vector.extract_strided_slice %parallel_loop3A_405 {offsets = [1, 0], sizes = [1, 16], strides = [1, 1]} : vector<2x16xf32> to vector<1x16xf32>
        %parallel_loop3A_416 = vector.shape_cast %parallel_loop3A_415 : vector<1x16xf32> to vector<16xf32>
        %parallel_loop3A_417 = arith.index_cast %parallel_loop3A_378 : i32 to index
        %parallel_loop3A_418 = arith.index_cast %parallel_loop3A_414 : i32 to index
        %parallel_loop3A_419 = tpu.vector_load %arg11[%parallel_loop3A_417, %parallel_loop3A_418] {strides = array<i32>} : memref<16x1024xf32, #tpu.memory_space<vmem>>, vector<1x16xf32>,
        %parallel_loop3A_420 = vector.shape_cast %parallel_loop3A_419 : vector<1x16xf32> to vector<16xf32>
        %parallel_loop3A_421 = vector.shape_cast %parallel_loop3A_416 : vector<16xf32> to vector<1x16xf32>
        tpu.vector_store %arg11[%parallel_loop3A_417, %parallel_loop3A_418], %parallel_loop3A_421 {add = true, strides = array<i32>} : memref<16x1024xf32, #tpu.memory_space<vmem>>, vector<1x16xf32>,
      } {sc.loop_unroll_factor = 8 : i64, sc.parallel_access}
      %mul3A_209 = arith.constant 16 : i32
      %mul3A_210 = arith.muli %add3A_176, %mul3A_209 : i32
      %add3A_211 = arith.addi %mul3A_2, %mul3A_210 : i32
      %dma_start3A_212 = arith.constant 0 : i32
      %dma_start3A_213 = tpu.memref_slice %arg5[%add3A_211, %dma_start3A_212] : memref<32768x1024xf32, #tpu.memory_space<hbm>> -> memref<16x1024xf32, #tpu.memory_space<hbm>>
      %dma_start3A_214 = arith.constant 0 : i32
      %dma_start3A_215 = tpu.memref_slice %arg5[%add3A_211, %dma_start3A_214] : memref<32768x1024xf32, #tpu.memory_space<hbm>> -> memref<16x1024xf32, #tpu.memory_space<hbm>>
      tpu.enqueue_dma source(%arg11 : memref<16x1024xf32, #tpu.memory_space<vmem>>) target(%dma_start3A_215 : memref<16x1024xf32, #tpu.memory_space<hbm>>) target_semaphore(%arg23 : memref<!tpu.dma_semaphore, #tpu.memory_space<semaphore_mem>>)
      %mul3A_216 = arith.constant 4 : i32
      %mul3A_217 = arith.muli %mul3A_216, %scan3A_172 : i32
      %add3A_218 = arith.constant 1 : i32
      %add3A_219 = arith.addi %mul3A_217, %add3A_218 : i32
      %dma_wait3A_220 = arith.constant 0 : i32
      %dma_wait3A_221 = arith.constant 0 : i32
      %dma_wait3A_222 = tpu.memref_slice %arg5[%dma_wait3A_220, %dma_wait3A_221] : memref<32768x1024xf32, #tpu.memory_space<hbm>> -> memref<16x1024xf32, #tpu.memory_space<hbm>>
      %dma_wait3A_223 = arith.constant 0 : i32
      %dma_wait3A_224 = arith.constant 0 : i32
      %dma_wait3A_225 = tpu.memref_slice %arg5[%dma_wait3A_223, %dma_wait3A_224] : memref<32768x1024xf32, #tpu.memory_space<hbm>> -> memref<16x1024xf32, #tpu.memory_space<hbm>>
      tpu.wait_dma2 semaphore(%arg25 : memref<!tpu.dma_semaphore, #tpu.memory_space<semaphore_mem>>) src(%arg13 : memref<16x1024xf32, #tpu.memory_space<vmem>>) dst(%dma_wait3A_225 : memref<16x1024xf32, #tpu.memory_space<hbm>>)
      %add3A_226 = arith.constant 1 : i32
      %add3A_227 = arith.addi %add3A_219, %add3A_226 : i32
      %lt3A_228 = arith.constant 64 : i32
      %lt3A_229 = arith.cmpi slt, %add3A_227, %lt3A_228 : i32
      %convert_element_type3A_230 = arith.extui %lt3A_229 : i1 to i32
      %cond3A_231 = arith.constant 0 : i32
      %cond3A_232 = arith.cmpi ne, %convert_element_type3A_230, %cond3A_231 : i32
      scf.if %cond3A_232 {
        %add3A_354 = arith.constant 1 : i32
        %add3A_355 = arith.addi %add3A_219, %add3A_354 : i32
        %mul3A_356 = arith.constant 16 : i32
        %mul3A_357 = arith.muli %add3A_355, %mul3A_356 : i32
        %add3A_358 = arith.addi %mul3A_2, %mul3A_357 : i32
        %dma_start3A_359 = arith.constant 0 : i32
        %dma_start3A_360 = tpu.memref_slice %arg2[%add3A_358, %dma_start3A_359] : memref<32768x1024xf32, #tpu.memory_space<hbm>> -> memref<16x1024xf32, #tpu.memory_space<hbm>>
        %dma_start3A_361 = arith.constant 0 : i32
        %dma_start3A_362 = tpu.memref_slice %arg2[%add3A_358, %dma_start3A_361] : memref<32768x1024xf32, #tpu.memory_space<hbm>> -> memref<16x1024xf32, #tpu.memory_space<hbm>>
        tpu.enqueue_dma source(%dma_start3A_362 : memref<16x1024xf32, #tpu.memory_space<hbm>>) target(%arg13 : memref<16x1024xf32, #tpu.memory_space<vmem>>) target_semaphore(%arg21 : memref<!tpu.dma_semaphore, #tpu.memory_space<semaphore_mem>>)
      } else {
      }
      %add3A_233 = arith.constant 2 : i32
      %add3A_234 = arith.addi %add3A_219, %add3A_233 : i32
      %lt3A_235 = arith.constant 64 : i32
      %lt3A_236 = arith.cmpi slt, %add3A_234, %lt3A_235 : i32
      %convert_element_type3A_237 = arith.extui %lt3A_236 : i1 to i32
      %cond3A_238 = arith.constant 0 : i32
      %cond3A_239 = arith.cmpi ne, %convert_element_type3A_237, %cond3A_238 : i32
      scf.if %cond3A_239 {
        %add3A_354 = arith.constant 2 : i32
        %add3A_355 = arith.addi %add3A_219, %add3A_354 : i32
        %mul3A_356 = arith.constant 16 : i32
        %mul3A_357 = arith.muli %add3A_355, %mul3A_356 : i32
        %dma_start3A_358 = tpu.memref_slice %arg6[%mul3A_357] : memref<1024xi32, #tpu.memory_space<vmem>> -> memref<16xi32, #tpu.memory_space<vmem>>
        %dma_start3A_359 = arith.constant 0 : i32
        %dma_start3A_360 = arith.constant 0 : i32
        %dma_start3A_361 = tpu.memref_slice %arg4[%dma_start3A_359, %dma_start3A_360] : memref<513x512xi32, #tpu.memory_space<hbm>> -> memref<513x512xi32, #tpu.memory_space<hbm>>
        tpu.enqueue_indirect_dma source(%dma_start3A_361 : memref<513x512xi32, #tpu.memory_space<hbm>>) target(%arg10 : memref<16x512xi32, #tpu.memory_space<vmem>>) offsets(%dma_start3A_358 : memref<16xi32, #tpu.memory_space<vmem>>) semaphore(%arg18 : memref<!tpu.dma_semaphore, #tpu.memory_space<semaphore_mem>>)
      } else {
      }
      %dma_wait3A_240 = arith.constant 0 : i32
      %dma_wait3A_241 = arith.constant 0 : i32
      %dma_wait3A_242 = tpu.memref_slice %arg2[%dma_wait3A_240, %dma_wait3A_241] : memref<32768x1024xf32, #tpu.memory_space<hbm>> -> memref<16x1024xf32, #tpu.memory_space<hbm>>
      %dma_wait3A_243 = arith.constant 0 : i32
      %dma_wait3A_244 = arith.constant 0 : i32
      %dma_wait3A_245 = tpu.memref_slice %arg2[%dma_wait3A_243, %dma_wait3A_244] : memref<32768x1024xf32, #tpu.memory_space<hbm>> -> memref<16x1024xf32, #tpu.memory_space<hbm>>
      tpu.wait_dma2 semaphore(%arg20 : memref<!tpu.dma_semaphore, #tpu.memory_space<semaphore_mem>>) src(%dma_wait3A_245 : memref<16x1024xf32, #tpu.memory_space<hbm>>) dst(%arg12 : memref<16x1024xf32, #tpu.memory_space<vmem>>)
      %dma_wait3A_246 = arith.constant 0 : i32
      %dma_wait3A_247 = arith.constant 0 : i32
      %dma_wait3A_248 = tpu.memref_slice %arg4[%dma_wait3A_246, %dma_wait3A_247] : memref<513x512xi32, #tpu.memory_space<hbm>> -> memref<16x512xi32, #tpu.memory_space<hbm>>
      %dma_wait3A_249 = arith.constant 0 : i32
      %dma_wait3A_250 = arith.constant 0 : i32
      %dma_wait3A_251 = tpu.memref_slice %arg4[%dma_wait3A_249, %dma_wait3A_250] : memref<513x512xi32, #tpu.memory_space<hbm>> -> memref<16x512xi32, #tpu.memory_space<hbm>>
      tpu.wait_dma2 semaphore(%arg16 : memref<!tpu.dma_semaphore, #tpu.memory_space<semaphore_mem>>) src(%dma_wait3A_251 : memref<16x512xi32, #tpu.memory_space<hbm>>) dst(%arg8 : memref<16x512xi32, #tpu.memory_space<vmem>>)
      %parallel_loop3A_252 = arith.constant 0 : i32
      %parallel_loop3A_253 = arith.constant 512 : i32
      %parallel_loop3A_254 = arith.constant 1 : i32
      scf.for %parallel_loop3A_354 = %parallel_loop3A_252 to %parallel_loop3A_253 step %parallel_loop3A_254  : i32 {
        %parallel_loop3A_355 = arith.constant 32 : i32
        %parallel_loop3A_356 = arith.divsi %parallel_loop3A_354, %parallel_loop3A_355 : i32
        %parallel_loop3A_357 = arith.constant 0 : i32
        %parallel_loop3A_358 = arith.cmpi sgt, %parallel_loop3A_354, %parallel_loop3A_357 : i32
        %parallel_loop3A_359 = arith.extui %parallel_loop3A_358 : i1 to i32
        %parallel_loop3A_360 = arith.constant 0 : i32
        %parallel_loop3A_361 = arith.cmpi slt, %parallel_loop3A_354, %parallel_loop3A_360 : i32
        %parallel_loop3A_362 = arith.extui %parallel_loop3A_361 : i1 to i32
        %parallel_loop3A_363 = arith.subi %parallel_loop3A_359, %parallel_loop3A_362 : i32
        %parallel_loop3A_364 = arith.constant 0 : i32
        %parallel_loop3A_365 = arith.cmpi sgt, %parallel_loop3A_355, %parallel_loop3A_364 : i32
        %parallel_loop3A_366 = arith.extui %parallel_loop3A_365 : i1 to i32
        %parallel_loop3A_367 = arith.constant 0 : i32
        %parallel_loop3A_368 = arith.cmpi slt, %parallel_loop3A_355, %parallel_loop3A_367 : i32
        %parallel_loop3A_369 = arith.extui %parallel_loop3A_368 : i1 to i32
        %parallel_loop3A_370 = arith.subi %parallel_loop3A_366, %parallel_loop3A_369 : i32
        %parallel_loop3A_371 = arith.cmpi ne, %parallel_loop3A_363, %parallel_loop3A_370 : i32
        %parallel_loop3A_372 = arith.remsi %parallel_loop3A_354, %parallel_loop3A_355 : i32
        %parallel_loop3A_373 = arith.constant 0 : i32
        %parallel_loop3A_374 = arith.cmpi ne, %parallel_loop3A_372, %parallel_loop3A_373 : i32
        %parallel_loop3A_375 = arith.andi %parallel_loop3A_371, %parallel_loop3A_374 : i1
        %parallel_loop3A_376 = arith.constant 1 : i32
        %parallel_loop3A_377 = arith.subi %parallel_loop3A_356, %parallel_loop3A_376 : i32
        %parallel_loop3A_378 = arith.select %parallel_loop3A_375, %parallel_loop3A_377, %parallel_loop3A_356 : i32
        %parallel_loop3A_379 = arith.constant 32 : i32
        %parallel_loop3A_380 = arith.constant 0 : i32
        %parallel_loop3A_381 = arith.cmpi eq, %parallel_loop3A_379, %parallel_loop3A_380 : i32
        %parallel_loop3A_382 = arith.constant 1 : i32
        %parallel_loop3A_383 = arith.select %parallel_loop3A_381, %parallel_loop3A_382, %parallel_loop3A_379 : i32
        %parallel_loop3A_384 = arith.remsi %parallel_loop3A_354, %parallel_loop3A_383 : i32
        %parallel_loop3A_385 = arith.constant 0 : i32
        %parallel_loop3A_386 = arith.cmpi ne, %parallel_loop3A_384, %parallel_loop3A_385 : i32
        %parallel_loop3A_387 = arith.constant 0 : i32
        %parallel_loop3A_388 = arith.cmpi slt, %parallel_loop3A_384, %parallel_loop3A_387 : i32
        %parallel_loop3A_389 = arith.constant 0 : i32
        %parallel_loop3A_390 = arith.cmpi slt, %parallel_loop3A_383, %parallel_loop3A_389 : i32
        %parallel_loop3A_391 = arith.xori %parallel_loop3A_388, %parallel_loop3A_390 : i1
        %parallel_loop3A_392 = arith.andi %parallel_loop3A_391, %parallel_loop3A_386 : i1
        %parallel_loop3A_393 = arith.addi %parallel_loop3A_384, %parallel_loop3A_383 : i32
        %parallel_loop3A_394 = arith.select %parallel_loop3A_392, %parallel_loop3A_393, %parallel_loop3A_384 : i32
        %parallel_loop3A_395 = arith.constant 16 : i32
        %parallel_loop3A_396 = arith.muli %parallel_loop3A_394, %parallel_loop3A_395 : i32
        %parallel_loop3A_397 = arith.constant 2 : i32
        %parallel_loop3A_398 = arith.muli %parallel_loop3A_397, %parallel_loop3A_378 : i32
        %parallel_loop3A_399 = tpu.assume_multiple %parallel_loop3A_398, 2 : i32
        %parallel_loop3A_400 = tpu.memref_bitcast %arg8 : memref<16x512xi32, #tpu.memory_space<vmem>> -> memref<32x512xbf16, #tpu.memory_space<vmem>>
        %parallel_loop3A_401 = arith.index_cast %parallel_loop3A_399 : i32 to index
        %parallel_loop3A_402 = arith.index_cast %parallel_loop3A_396 : i32 to index
        %parallel_loop3A_403 = tpu.vector_load %parallel_loop3A_400[%parallel_loop3A_401, %parallel_loop3A_402] {strides = array<i32>} : memref<32x512xbf16, #tpu.memory_space<vmem>>, vector<2x16xbf16>,
        %parallel_loop3A_404 = vector.shape_cast %parallel_loop3A_403 : vector<2x16xbf16> to vector<2x16xbf16>
        %parallel_loop3A_405 = arith.extf %parallel_loop3A_404 : vector<2x16xbf16> to vector<2x16xf32>
        %parallel_loop3A_406 = vector.extract_strided_slice %parallel_loop3A_405 {offsets = [0, 0], sizes = [1, 16], strides = [1, 1]} : vector<2x16xf32> to vector<1x16xf32>
        %parallel_loop3A_407 = vector.shape_cast %parallel_loop3A_406 : vector<1x16xf32> to vector<16xf32>
        %parallel_loop3A_408 = arith.index_cast %parallel_loop3A_378 : i32 to index
        %parallel_loop3A_409 = arith.index_cast %parallel_loop3A_396 : i32 to index
        %parallel_loop3A_410 = tpu.vector_load %arg12[%parallel_loop3A_408, %parallel_loop3A_409] {strides = array<i32>} : memref<16x1024xf32, #tpu.memory_space<vmem>>, vector<1x16xf32>,
        %parallel_loop3A_411 = vector.shape_cast %parallel_loop3A_410 : vector<1x16xf32> to vector<16xf32>
        %parallel_loop3A_412 = vector.shape_cast %parallel_loop3A_407 : vector<16xf32> to vector<1x16xf32>
        tpu.vector_store %arg12[%parallel_loop3A_408, %parallel_loop3A_409], %parallel_loop3A_412 {add = true, strides = array<i32>} : memref<16x1024xf32, #tpu.memory_space<vmem>>, vector<1x16xf32>,
        %parallel_loop3A_413 = arith.constant 512 : i32
        %parallel_loop3A_414 = arith.addi %parallel_loop3A_396, %parallel_loop3A_413 : i32
        %parallel_loop3A_415 = vector.extract_strided_slice %parallel_loop3A_405 {offsets = [1, 0], sizes = [1, 16], strides = [1, 1]} : vector<2x16xf32> to vector<1x16xf32>
        %parallel_loop3A_416 = vector.shape_cast %parallel_loop3A_415 : vector<1x16xf32> to vector<16xf32>
        %parallel_loop3A_417 = arith.index_cast %parallel_loop3A_378 : i32 to index
        %parallel_loop3A_418 = arith.index_cast %parallel_loop3A_414 : i32 to index
        %parallel_loop3A_419 = tpu.vector_load %arg12[%parallel_loop3A_417, %parallel_loop3A_418] {strides = array<i32>} : memref<16x1024xf32, #tpu.memory_space<vmem>>, vector<1x16xf32>,
        %parallel_loop3A_420 = vector.shape_cast %parallel_loop3A_419 : vector<1x16xf32> to vector<16xf32>
        %parallel_loop3A_421 = vector.shape_cast %parallel_loop3A_416 : vector<16xf32> to vector<1x16xf32>
        tpu.vector_store %arg12[%parallel_loop3A_417, %parallel_loop3A_418], %parallel_loop3A_421 {add = true, strides = array<i32>} : memref<16x1024xf32, #tpu.memory_space<vmem>>, vector<1x16xf32>,
      } {sc.loop_unroll_factor = 8 : i64, sc.parallel_access}
      %mul3A_255 = arith.constant 16 : i32
      %mul3A_256 = arith.muli %add3A_219, %mul3A_255 : i32
      %add3A_257 = arith.addi %mul3A_2, %mul3A_256 : i32
      %dma_start3A_258 = arith.constant 0 : i32
      %dma_start3A_259 = tpu.memref_slice %arg5[%add3A_257, %dma_start3A_258] : memref<32768x1024xf32, #tpu.memory_space<hbm>> -> memref<16x1024xf32, #tpu.memory_space<hbm>>
      %dma_start3A_260 = arith.constant 0 : i32
      %dma_start3A_261 = tpu.memref_slice %arg5[%add3A_257, %dma_start3A_260] : memref<32768x1024xf32, #tpu.memory_space<hbm>> -> memref<16x1024xf32, #tpu.memory_space<hbm>>
      tpu.enqueue_dma source(%arg12 : memref<16x1024xf32, #tpu.memory_space<vmem>>) target(%dma_start3A_261 : memref<16x1024xf32, #tpu.memory_space<hbm>>) target_semaphore(%arg24 : memref<!tpu.dma_semaphore, #tpu.memory_space<semaphore_mem>>)
      %mul3A_262 = arith.constant 4 : i32
      %mul3A_263 = arith.muli %mul3A_262, %scan3A_172 : i32
      %add3A_264 = arith.constant 2 : i32
      %add3A_265 = arith.addi %mul3A_263, %add3A_264 : i32
      %dma_wait3A_266 = arith.constant 0 : i32
      %dma_wait3A_267 = arith.constant 0 : i32
      %dma_wait3A_268 = tpu.memref_slice %arg5[%dma_wait3A_266, %dma_wait3A_267] : memref<32768x1024xf32, #tpu.memory_space<hbm>> -> memref<16x1024xf32, #tpu.memory_space<hbm>>
      %dma_wait3A_269 = arith.constant 0 : i32
      %dma_wait3A_270 = arith.constant 0 : i32
      %dma_wait3A_271 = tpu.memref_slice %arg5[%dma_wait3A_269, %dma_wait3A_270] : memref<32768x1024xf32, #tpu.memory_space<hbm>> -> memref<16x1024xf32, #tpu.memory_space<hbm>>
      tpu.wait_dma2 semaphore(%arg26 : memref<!tpu.dma_semaphore, #tpu.memory_space<semaphore_mem>>) src(%arg14 : memref<16x1024xf32, #tpu.memory_space<vmem>>) dst(%dma_wait3A_271 : memref<16x1024xf32, #tpu.memory_space<hbm>>)
      %add3A_272 = arith.constant 1 : i32
      %add3A_273 = arith.addi %add3A_265, %add3A_272 : i32
      %lt3A_274 = arith.constant 64 : i32
      %lt3A_275 = arith.cmpi slt, %add3A_273, %lt3A_274 : i32
      %convert_element_type3A_276 = arith.extui %lt3A_275 : i1 to i32
      %cond3A_277 = arith.constant 0 : i32
      %cond3A_278 = arith.cmpi ne, %convert_element_type3A_276, %cond3A_277 : i32
      scf.if %cond3A_278 {
        %add3A_354 = arith.constant 1 : i32
        %add3A_355 = arith.addi %add3A_265, %add3A_354 : i32
        %mul3A_356 = arith.constant 16 : i32
        %mul3A_357 = arith.muli %add3A_355, %mul3A_356 : i32
        %add3A_358 = arith.addi %mul3A_2, %mul3A_357 : i32
        %dma_start3A_359 = arith.constant 0 : i32
        %dma_start3A_360 = tpu.memref_slice %arg2[%add3A_358, %dma_start3A_359] : memref<32768x1024xf32, #tpu.memory_space<hbm>> -> memref<16x1024xf32, #tpu.memory_space<hbm>>
        %dma_start3A_361 = arith.constant 0 : i32
        %dma_start3A_362 = tpu.memref_slice %arg2[%add3A_358, %dma_start3A_361] : memref<32768x1024xf32, #tpu.memory_space<hbm>> -> memref<16x1024xf32, #tpu.memory_space<hbm>>
        tpu.enqueue_dma source(%dma_start3A_362 : memref<16x1024xf32, #tpu.memory_space<hbm>>) target(%arg14 : memref<16x1024xf32, #tpu.memory_space<vmem>>) target_semaphore(%arg22 : memref<!tpu.dma_semaphore, #tpu.memory_space<semaphore_mem>>)
      } else {
      }
      %add3A_279 = arith.constant 2 : i32
      %add3A_280 = arith.addi %add3A_265, %add3A_279 : i32
      %lt3A_281 = arith.constant 64 : i32
      %lt3A_282 = arith.cmpi slt, %add3A_280, %lt3A_281 : i32
      %convert_element_type3A_283 = arith.extui %lt3A_282 : i1 to i32
      %cond3A_284 = arith.constant 0 : i32
      %cond3A_285 = arith.cmpi ne, %convert_element_type3A_283, %cond3A_284 : i32
      scf.if %cond3A_285 {
        %add3A_354 = arith.constant 2 : i32
        %add3A_355 = arith.addi %add3A_265, %add3A_354 : i32
        %mul3A_356 = arith.constant 16 : i32
        %mul3A_357 = arith.muli %add3A_355, %mul3A_356 : i32
        %dma_start3A_358 = tpu.memref_slice %arg6[%mul3A_357] : memref<1024xi32, #tpu.memory_space<vmem>> -> memref<16xi32, #tpu.memory_space<vmem>>
        %dma_start3A_359 = arith.constant 0 : i32
        %dma_start3A_360 = arith.constant 0 : i32
        %dma_start3A_361 = tpu.memref_slice %arg4[%dma_start3A_359, %dma_start3A_360] : memref<513x512xi32, #tpu.memory_space<hbm>> -> memref<513x512xi32, #tpu.memory_space<hbm>>
        tpu.enqueue_indirect_dma source(%dma_start3A_361 : memref<513x512xi32, #tpu.memory_space<hbm>>) target(%arg7 : memref<16x512xi32, #tpu.memory_space<vmem>>) offsets(%dma_start3A_358 : memref<16xi32, #tpu.memory_space<vmem>>) semaphore(%arg15 : memref<!tpu.dma_semaphore, #tpu.memory_space<semaphore_mem>>)
      } else {
      }
      %dma_wait3A_286 = arith.constant 0 : i32
      %dma_wait3A_287 = arith.constant 0 : i32
      %dma_wait3A_288 = tpu.memref_slice %arg2[%dma_wait3A_286, %dma_wait3A_287] : memref<32768x1024xf32, #tpu.memory_space<hbm>> -> memref<16x1024xf32, #tpu.memory_space<hbm>>
      %dma_wait3A_289 = arith.constant 0 : i32
      %dma_wait3A_290 = arith.constant 0 : i32
      %dma_wait3A_291 = tpu.memref_slice %arg2[%dma_wait3A_289, %dma_wait3A_290] : memref<32768x1024xf32, #tpu.memory_space<hbm>> -> memref<16x1024xf32, #tpu.memory_space<hbm>>
      tpu.wait_dma2 semaphore(%arg21 : memref<!tpu.dma_semaphore, #tpu.memory_space<semaphore_mem>>) src(%dma_wait3A_291 : memref<16x1024xf32, #tpu.memory_space<hbm>>) dst(%arg13 : memref<16x1024xf32, #tpu.memory_space<vmem>>)
      %dma_wait3A_292 = arith.constant 0 : i32
      %dma_wait3A_293 = arith.constant 0 : i32
      %dma_wait3A_294 = tpu.memref_slice %arg4[%dma_wait3A_292, %dma_wait3A_293] : memref<513x512xi32, #tpu.memory_space<hbm>> -> memref<16x512xi32, #tpu.memory_space<hbm>>
      %dma_wait3A_295 = arith.constant 0 : i32
      %dma_wait3A_296 = arith.constant 0 : i32
      %dma_wait3A_297 = tpu.memref_slice %arg4[%dma_wait3A_295, %dma_wait3A_296] : memref<513x512xi32, #tpu.memory_space<hbm>> -> memref<16x512xi32, #tpu.memory_space<hbm>>
      tpu.wait_dma2 semaphore(%arg17 : memref<!tpu.dma_semaphore, #tpu.memory_space<semaphore_mem>>) src(%dma_wait3A_297 : memref<16x512xi32, #tpu.memory_space<hbm>>) dst(%arg9 : memref<16x512xi32, #tpu.memory_space<vmem>>)
      %parallel_loop3A_298 = arith.constant 0 : i32
      %parallel_loop3A_299 = arith.constant 512 : i32
      %parallel_loop3A_300 = arith.constant 1 : i32
      scf.for %parallel_loop3A_354 = %parallel_loop3A_298 to %parallel_loop3A_299 step %parallel_loop3A_300  : i32 {
        %parallel_loop3A_355 = arith.constant 32 : i32
        %parallel_loop3A_356 = arith.divsi %parallel_loop3A_354, %parallel_loop3A_355 : i32
        %parallel_loop3A_357 = arith.constant 0 : i32
        %parallel_loop3A_358 = arith.cmpi sgt, %parallel_loop3A_354, %parallel_loop3A_357 : i32
        %parallel_loop3A_359 = arith.extui %parallel_loop3A_358 : i1 to i32
        %parallel_loop3A_360 = arith.constant 0 : i32
        %parallel_loop3A_361 = arith.cmpi slt, %parallel_loop3A_354, %parallel_loop3A_360 : i32
        %parallel_loop3A_362 = arith.extui %parallel_loop3A_361 : i1 to i32
        %parallel_loop3A_363 = arith.subi %parallel_loop3A_359, %parallel_loop3A_362 : i32
        %parallel_loop3A_364 = arith.constant 0 : i32
        %parallel_loop3A_365 = arith.cmpi sgt, %parallel_loop3A_355, %parallel_loop3A_364 : i32
        %parallel_loop3A_366 = arith.extui %parallel_loop3A_365 : i1 to i32
        %parallel_loop3A_367 = arith.constant 0 : i32
        %parallel_loop3A_368 = arith.cmpi slt, %parallel_loop3A_355, %parallel_loop3A_367 : i32
        %parallel_loop3A_369 = arith.extui %parallel_loop3A_368 : i1 to i32
        %parallel_loop3A_370 = arith.subi %parallel_loop3A_366, %parallel_loop3A_369 : i32
        %parallel_loop3A_371 = arith.cmpi ne, %parallel_loop3A_363, %parallel_loop3A_370 : i32
        %parallel_loop3A_372 = arith.remsi %parallel_loop3A_354, %parallel_loop3A_355 : i32
        %parallel_loop3A_373 = arith.constant 0 : i32
        %parallel_loop3A_374 = arith.cmpi ne, %parallel_loop3A_372, %parallel_loop3A_373 : i32
        %parallel_loop3A_375 = arith.andi %parallel_loop3A_371, %parallel_loop3A_374 : i1
        %parallel_loop3A_376 = arith.constant 1 : i32
        %parallel_loop3A_377 = arith.subi %parallel_loop3A_356, %parallel_loop3A_376 : i32
        %parallel_loop3A_378 = arith.select %parallel_loop3A_375, %parallel_loop3A_377, %parallel_loop3A_356 : i32
        %parallel_loop3A_379 = arith.constant 32 : i32
        %parallel_loop3A_380 = arith.constant 0 : i32
        %parallel_loop3A_381 = arith.cmpi eq, %parallel_loop3A_379, %parallel_loop3A_380 : i32
        %parallel_loop3A_382 = arith.constant 1 : i32
        %parallel_loop3A_383 = arith.select %parallel_loop3A_381, %parallel_loop3A_382, %parallel_loop3A_379 : i32
        %parallel_loop3A_384 = arith.remsi %parallel_loop3A_354, %parallel_loop3A_383 : i32
        %parallel_loop3A_385 = arith.constant 0 : i32
        %parallel_loop3A_386 = arith.cmpi ne, %parallel_loop3A_384, %parallel_loop3A_385 : i32
        %parallel_loop3A_387 = arith.constant 0 : i32
        %parallel_loop3A_388 = arith.cmpi slt, %parallel_loop3A_384, %parallel_loop3A_387 : i32
        %parallel_loop3A_389 = arith.constant 0 : i32
        %parallel_loop3A_390 = arith.cmpi slt, %parallel_loop3A_383, %parallel_loop3A_389 : i32
        %parallel_loop3A_391 = arith.xori %parallel_loop3A_388, %parallel_loop3A_390 : i1
        %parallel_loop3A_392 = arith.andi %parallel_loop3A_391, %parallel_loop3A_386 : i1
        %parallel_loop3A_393 = arith.addi %parallel_loop3A_384, %parallel_loop3A_383 : i32
        %parallel_loop3A_394 = arith.select %parallel_loop3A_392, %parallel_loop3A_393, %parallel_loop3A_384 : i32
        %parallel_loop3A_395 = arith.constant 16 : i32
        %parallel_loop3A_396 = arith.muli %parallel_loop3A_394, %parallel_loop3A_395 : i32
        %parallel_loop3A_397 = arith.constant 2 : i32
        %parallel_loop3A_398 = arith.muli %parallel_loop3A_397, %parallel_loop3A_378 : i32
        %parallel_loop3A_399 = tpu.assume_multiple %parallel_loop3A_398, 2 : i32
        %parallel_loop3A_400 = tpu.memref_bitcast %arg9 : memref<16x512xi32, #tpu.memory_space<vmem>> -> memref<32x512xbf16, #tpu.memory_space<vmem>>
        %parallel_loop3A_401 = arith.index_cast %parallel_loop3A_399 : i32 to index
        %parallel_loop3A_402 = arith.index_cast %parallel_loop3A_396 : i32 to index
        %parallel_loop3A_403 = tpu.vector_load %parallel_loop3A_400[%parallel_loop3A_401, %parallel_loop3A_402] {strides = array<i32>} : memref<32x512xbf16, #tpu.memory_space<vmem>>, vector<2x16xbf16>,
        %parallel_loop3A_404 = vector.shape_cast %parallel_loop3A_403 : vector<2x16xbf16> to vector<2x16xbf16>
        %parallel_loop3A_405 = arith.extf %parallel_loop3A_404 : vector<2x16xbf16> to vector<2x16xf32>
        %parallel_loop3A_406 = vector.extract_strided_slice %parallel_loop3A_405 {offsets = [0, 0], sizes = [1, 16], strides = [1, 1]} : vector<2x16xf32> to vector<1x16xf32>
        %parallel_loop3A_407 = vector.shape_cast %parallel_loop3A_406 : vector<1x16xf32> to vector<16xf32>
        %parallel_loop3A_408 = arith.index_cast %parallel_loop3A_378 : i32 to index
        %parallel_loop3A_409 = arith.index_cast %parallel_loop3A_396 : i32 to index
        %parallel_loop3A_410 = tpu.vector_load %arg13[%parallel_loop3A_408, %parallel_loop3A_409] {strides = array<i32>} : memref<16x1024xf32, #tpu.memory_space<vmem>>, vector<1x16xf32>,
        %parallel_loop3A_411 = vector.shape_cast %parallel_loop3A_410 : vector<1x16xf32> to vector<16xf32>
        %parallel_loop3A_412 = vector.shape_cast %parallel_loop3A_407 : vector<16xf32> to vector<1x16xf32>
        tpu.vector_store %arg13[%parallel_loop3A_408, %parallel_loop3A_409], %parallel_loop3A_412 {add = true, strides = array<i32>} : memref<16x1024xf32, #tpu.memory_space<vmem>>, vector<1x16xf32>,
        %parallel_loop3A_413 = arith.constant 512 : i32
        %parallel_loop3A_414 = arith.addi %parallel_loop3A_396, %parallel_loop3A_413 : i32
        %parallel_loop3A_415 = vector.extract_strided_slice %parallel_loop3A_405 {offsets = [1, 0], sizes = [1, 16], strides = [1, 1]} : vector<2x16xf32> to vector<1x16xf32>
        %parallel_loop3A_416 = vector.shape_cast %parallel_loop3A_415 : vector<1x16xf32> to vector<16xf32>
        %parallel_loop3A_417 = arith.index_cast %parallel_loop3A_378 : i32 to index
        %parallel_loop3A_418 = arith.index_cast %parallel_loop3A_414 : i32 to index
        %parallel_loop3A_419 = tpu.vector_load %arg13[%parallel_loop3A_417, %parallel_loop3A_418] {strides = array<i32>} : memref<16x1024xf32, #tpu.memory_space<vmem>>, vector<1x16xf32>,
        %parallel_loop3A_420 = vector.shape_cast %parallel_loop3A_419 : vector<1x16xf32> to vector<16xf32>
        %parallel_loop3A_421 = vector.shape_cast %parallel_loop3A_416 : vector<16xf32> to vector<1x16xf32>
        tpu.vector_store %arg13[%parallel_loop3A_417, %parallel_loop3A_418], %parallel_loop3A_421 {add = true, strides = array<i32>} : memref<16x1024xf32, #tpu.memory_space<vmem>>, vector<1x16xf32>,
      } {sc.loop_unroll_factor = 8 : i64, sc.parallel_access}
      %mul3A_301 = arith.constant 16 : i32
      %mul3A_302 = arith.muli %add3A_265, %mul3A_301 : i32
      %add3A_303 = arith.addi %mul3A_2, %mul3A_302 : i32
      %dma_start3A_304 = arith.constant 0 : i32
      %dma_start3A_305 = tpu.memref_slice %arg5[%add3A_303, %dma_start3A_304] : memref<32768x1024xf32, #tpu.memory_space<hbm>> -> memref<16x1024xf32, #tpu.memory_space<hbm>>
      %dma_start3A_306 = arith.constant 0 : i32
      %dma_start3A_307 = tpu.memref_slice %arg5[%add3A_303, %dma_start3A_306] : memref<32768x1024xf32, #tpu.memory_space<hbm>> -> memref<16x1024xf32, #tpu.memory_space<hbm>>
      tpu.enqueue_dma source(%arg13 : memref<16x1024xf32, #tpu.memory_space<vmem>>) target(%dma_start3A_307 : memref<16x1024xf32, #tpu.memory_space<hbm>>) target_semaphore(%arg25 : memref<!tpu.dma_semaphore, #tpu.memory_space<semaphore_mem>>)
      %mul3A_308 = arith.constant 4 : i32
      %mul3A_309 = arith.muli %mul3A_308, %scan3A_172 : i32
      %add3A_310 = arith.constant 3 : i32
      %add3A_311 = arith.addi %mul3A_309, %add3A_310 : i32
      %dma_wait3A_312 = arith.constant 0 : i32
      %dma_wait3A_313 = arith.constant 0 : i32
      %dma_wait3A_314 = tpu.memref_slice %arg5[%dma_wait3A_312, %dma_wait3A_313] : memref<32768x1024xf32, #tpu.memory_space<hbm>> -> memref<16x1024xf32, #tpu.memory_space<hbm>>
      %dma_wait3A_315 = arith.constant 0 : i32
      %dma_wait3A_316 = arith.constant 0 : i32
      %dma_wait3A_317 = tpu.memref_slice %arg5[%dma_wait3A_315, %dma_wait3A_316] : memref<32768x1024xf32, #tpu.memory_space<hbm>> -> memref<16x1024xf32, #tpu.memory_space<hbm>>
      tpu.wait_dma2 semaphore(%arg23 : memref<!tpu.dma_semaphore, #tpu.memory_space<semaphore_mem>>) src(%arg11 : memref<16x1024xf32, #tpu.memory_space<vmem>>) dst(%dma_wait3A_317 : memref<16x1024xf32, #tpu.memory_space<hbm>>)
      %add3A_318 = arith.constant 1 : i32
      %add3A_319 = arith.addi %add3A_311, %add3A_318 : i32
      %lt3A_320 = arith.constant 64 : i32
      %lt3A_321 = arith.cmpi slt, %add3A_319, %lt3A_320 : i32
      %convert_element_type3A_322 = arith.extui %lt3A_321 : i1 to i32
      %cond3A_323 = arith.constant 0 : i32
      %cond3A_324 = arith.cmpi ne, %convert_element_type3A_322, %cond3A_323 : i32
      scf.if %cond3A_324 {
        %add3A_354 = arith.constant 1 : i32
        %add3A_355 = arith.addi %add3A_311, %add3A_354 : i32
        %mul3A_356 = arith.constant 16 : i32
        %mul3A_357 = arith.muli %add3A_355, %mul3A_356 : i32
        %add3A_358 = arith.addi %mul3A_2, %mul3A_357 : i32
        %dma_start3A_359 = arith.constant 0 : i32
        %dma_start3A_360 = tpu.memref_slice %arg2[%add3A_358, %dma_start3A_359] : memref<32768x1024xf32, #tpu.memory_space<hbm>> -> memref<16x1024xf32, #tpu.memory_space<hbm>>
        %dma_start3A_361 = arith.constant 0 : i32
        %dma_start3A_362 = tpu.memref_slice %arg2[%add3A_358, %dma_start3A_361] : memref<32768x1024xf32, #tpu.memory_space<hbm>> -> memref<16x1024xf32, #tpu.memory_space<hbm>>
        tpu.enqueue_dma source(%dma_start3A_362 : memref<16x1024xf32, #tpu.memory_space<hbm>>) target(%arg11 : memref<16x1024xf32, #tpu.memory_space<vmem>>) target_semaphore(%arg19 : memref<!tpu.dma_semaphore, #tpu.memory_space<semaphore_mem>>)
      } else {
      }
      %add3A_325 = arith.constant 2 : i32
      %add3A_326 = arith.addi %add3A_311, %add3A_325 : i32
      %lt3A_327 = arith.constant 64 : i32
      %lt3A_328 = arith.cmpi slt, %add3A_326, %lt3A_327 : i32
      %convert_element_type3A_329 = arith.extui %lt3A_328 : i1 to i32
      %cond3A_330 = arith.constant 0 : i32
      %cond3A_331 = arith.cmpi ne, %convert_element_type3A_329, %cond3A_330 : i32
      scf.if %cond3A_331 {
        %add3A_354 = arith.constant 2 : i32
        %add3A_355 = arith.addi %add3A_311, %add3A_354 : i32
        %mul3A_356 = arith.constant 16 : i32
        %mul3A_357 = arith.muli %add3A_355, %mul3A_356 : i32
        %dma_start3A_358 = tpu.memref_slice %arg6[%mul3A_357] : memref<1024xi32, #tpu.memory_space<vmem>> -> memref<16xi32, #tpu.memory_space<vmem>>
        %dma_start3A_359 = arith.constant 0 : i32
        %dma_start3A_360 = arith.constant 0 : i32
        %dma_start3A_361 = tpu.memref_slice %arg4[%dma_start3A_359, %dma_start3A_360] : memref<513x512xi32, #tpu.memory_space<hbm>> -> memref<513x512xi32, #tpu.memory_space<hbm>>
        tpu.enqueue_indirect_dma source(%dma_start3A_361 : memref<513x512xi32, #tpu.memory_space<hbm>>) target(%arg8 : memref<16x512xi32, #tpu.memory_space<vmem>>) offsets(%dma_start3A_358 : memref<16xi32, #tpu.memory_space<vmem>>) semaphore(%arg16 : memref<!tpu.dma_semaphore, #tpu.memory_space<semaphore_mem>>)
      } else {
      }
      %dma_wait3A_332 = arith.constant 0 : i32
      %dma_wait3A_333 = arith.constant 0 : i32
      %dma_wait3A_334 = tpu.memref_slice %arg2[%dma_wait3A_332, %dma_wait3A_333] : memref<32768x1024xf32, #tpu.memory_space<hbm>> -> memref<16x1024xf32, #tpu.memory_space<hbm>>
      %dma_wait3A_335 = arith.constant 0 : i32
      %dma_wait3A_336 = arith.constant 0 : i32
      %dma_wait3A_337 = tpu.memref_slice %arg2[%dma_wait3A_335, %dma_wait3A_336] : memref<32768x1024xf32, #tpu.memory_space<hbm>> -> memref<16x1024xf32, #tpu.memory_space<hbm>>
      tpu.wait_dma2 semaphore(%arg22 : memref<!tpu.dma_semaphore, #tpu.memory_space<semaphore_mem>>) src(%dma_wait3A_337 : memref<16x1024xf32, #tpu.memory_space<hbm>>) dst(%arg14 : memref<16x1024xf32, #tpu.memory_space<vmem>>)
      %dma_wait3A_338 = arith.constant 0 : i32
      %dma_wait3A_339 = arith.constant 0 : i32
      %dma_wait3A_340 = tpu.memref_slice %arg4[%dma_wait3A_338, %dma_wait3A_339] : memref<513x512xi32, #tpu.memory_space<hbm>> -> memref<16x512xi32, #tpu.memory_space<hbm>>
      %dma_wait3A_341 = arith.constant 0 : i32
      %dma_wait3A_342 = arith.constant 0 : i32
      %dma_wait3A_343 = tpu.memref_slice %arg4[%dma_wait3A_341, %dma_wait3A_342] : memref<513x512xi32, #tpu.memory_space<hbm>> -> memref<16x512xi32, #tpu.memory_space<hbm>>
      tpu.wait_dma2 semaphore(%arg18 : memref<!tpu.dma_semaphore, #tpu.memory_space<semaphore_mem>>) src(%dma_wait3A_343 : memref<16x512xi32, #tpu.memory_space<hbm>>) dst(%arg10 : memref<16x512xi32, #tpu.memory_space<vmem>>)
      %parallel_loop3A_344 = arith.constant 0 : i32
      %parallel_loop3A_345 = arith.constant 512 : i32
      %parallel_loop3A_346 = arith.constant 1 : i32
      scf.for %parallel_loop3A_354 = %parallel_loop3A_344 to %parallel_loop3A_345 step %parallel_loop3A_346  : i32 {
        %parallel_loop3A_355 = arith.constant 32 : i32
        %parallel_loop3A_356 = arith.divsi %parallel_loop3A_354, %parallel_loop3A_355 : i32
        %parallel_loop3A_357 = arith.constant 0 : i32
        %parallel_loop3A_358 = arith.cmpi sgt, %parallel_loop3A_354, %parallel_loop3A_357 : i32
        %parallel_loop3A_359 = arith.extui %parallel_loop3A_358 : i1 to i32
        %parallel_loop3A_360 = arith.constant 0 : i32
        %parallel_loop3A_361 = arith.cmpi slt, %parallel_loop3A_354, %parallel_loop3A_360 : i32
        %parallel_loop3A_362 = arith.extui %parallel_loop3A_361 : i1 to i32
        %parallel_loop3A_363 = arith.subi %parallel_loop3A_359, %parallel_loop3A_362 : i32
        %parallel_loop3A_364 = arith.constant 0 : i32
        %parallel_loop3A_365 = arith.cmpi sgt, %parallel_loop3A_355, %parallel_loop3A_364 : i32
        %parallel_loop3A_366 = arith.extui %parallel_loop3A_365 : i1 to i32
        %parallel_loop3A_367 = arith.constant 0 : i32
        %parallel_loop3A_368 = arith.cmpi slt, %parallel_loop3A_355, %parallel_loop3A_367 : i32
        %parallel_loop3A_369 = arith.extui %parallel_loop3A_368 : i1 to i32
        %parallel_loop3A_370 = arith.subi %parallel_loop3A_366, %parallel_loop3A_369 : i32
        %parallel_loop3A_371 = arith.cmpi ne, %parallel_loop3A_363, %parallel_loop3A_370 : i32
        %parallel_loop3A_372 = arith.remsi %parallel_loop3A_354, %parallel_loop3A_355 : i32
        %parallel_loop3A_373 = arith.constant 0 : i32
        %parallel_loop3A_374 = arith.cmpi ne, %parallel_loop3A_372, %parallel_loop3A_373 : i32
        %parallel_loop3A_375 = arith.andi %parallel_loop3A_371, %parallel_loop3A_374 : i1
        %parallel_loop3A_376 = arith.constant 1 : i32
        %parallel_loop3A_377 = arith.subi %parallel_loop3A_356, %parallel_loop3A_376 : i32
        %parallel_loop3A_378 = arith.select %parallel_loop3A_375, %parallel_loop3A_377, %parallel_loop3A_356 : i32
        %parallel_loop3A_379 = arith.constant 32 : i32
        %parallel_loop3A_380 = arith.constant 0 : i32
        %parallel_loop3A_381 = arith.cmpi eq, %parallel_loop3A_379, %parallel_loop3A_380 : i32
        %parallel_loop3A_382 = arith.constant 1 : i32
        %parallel_loop3A_383 = arith.select %parallel_loop3A_381, %parallel_loop3A_382, %parallel_loop3A_379 : i32
        %parallel_loop3A_384 = arith.remsi %parallel_loop3A_354, %parallel_loop3A_383 : i32
        %parallel_loop3A_385 = arith.constant 0 : i32
        %parallel_loop3A_386 = arith.cmpi ne, %parallel_loop3A_384, %parallel_loop3A_385 : i32
        %parallel_loop3A_387 = arith.constant 0 : i32
        %parallel_loop3A_388 = arith.cmpi slt, %parallel_loop3A_384, %parallel_loop3A_387 : i32
        %parallel_loop3A_389 = arith.constant 0 : i32
        %parallel_loop3A_390 = arith.cmpi slt, %parallel_loop3A_383, %parallel_loop3A_389 : i32
        %parallel_loop3A_391 = arith.xori %parallel_loop3A_388, %parallel_loop3A_390 : i1
        %parallel_loop3A_392 = arith.andi %parallel_loop3A_391, %parallel_loop3A_386 : i1
        %parallel_loop3A_393 = arith.addi %parallel_loop3A_384, %parallel_loop3A_383 : i32
        %parallel_loop3A_394 = arith.select %parallel_loop3A_392, %parallel_loop3A_393, %parallel_loop3A_384 : i32
        %parallel_loop3A_395 = arith.constant 16 : i32
        %parallel_loop3A_396 = arith.muli %parallel_loop3A_394, %parallel_loop3A_395 : i32
        %parallel_loop3A_397 = arith.constant 2 : i32
        %parallel_loop3A_398 = arith.muli %parallel_loop3A_397, %parallel_loop3A_378 : i32
        %parallel_loop3A_399 = tpu.assume_multiple %parallel_loop3A_398, 2 : i32
        %parallel_loop3A_400 = tpu.memref_bitcast %arg10 : memref<16x512xi32, #tpu.memory_space<vmem>> -> memref<32x512xbf16, #tpu.memory_space<vmem>>
        %parallel_loop3A_401 = arith.index_cast %parallel_loop3A_399 : i32 to index
        %parallel_loop3A_402 = arith.index_cast %parallel_loop3A_396 : i32 to index
        %parallel_loop3A_403 = tpu.vector_load %parallel_loop3A_400[%parallel_loop3A_401, %parallel_loop3A_402] {strides = array<i32>} : memref<32x512xbf16, #tpu.memory_space<vmem>>, vector<2x16xbf16>,
        %parallel_loop3A_404 = vector.shape_cast %parallel_loop3A_403 : vector<2x16xbf16> to vector<2x16xbf16>
        %parallel_loop3A_405 = arith.extf %parallel_loop3A_404 : vector<2x16xbf16> to vector<2x16xf32>
        %parallel_loop3A_406 = vector.extract_strided_slice %parallel_loop3A_405 {offsets = [0, 0], sizes = [1, 16], strides = [1, 1]} : vector<2x16xf32> to vector<1x16xf32>
        %parallel_loop3A_407 = vector.shape_cast %parallel_loop3A_406 : vector<1x16xf32> to vector<16xf32>
        %parallel_loop3A_408 = arith.index_cast %parallel_loop3A_378 : i32 to index
        %parallel_loop3A_409 = arith.index_cast %parallel_loop3A_396 : i32 to index
        %parallel_loop3A_410 = tpu.vector_load %arg14[%parallel_loop3A_408, %parallel_loop3A_409] {strides = array<i32>} : memref<16x1024xf32, #tpu.memory_space<vmem>>, vector<1x16xf32>,
        %parallel_loop3A_411 = vector.shape_cast %parallel_loop3A_410 : vector<1x16xf32> to vector<16xf32>
        %parallel_loop3A_412 = vector.shape_cast %parallel_loop3A_407 : vector<16xf32> to vector<1x16xf32>
        tpu.vector_store %arg14[%parallel_loop3A_408, %parallel_loop3A_409], %parallel_loop3A_412 {add = true, strides = array<i32>} : memref<16x1024xf32, #tpu.memory_space<vmem>>, vector<1x16xf32>,
        %parallel_loop3A_413 = arith.constant 512 : i32
        %parallel_loop3A_414 = arith.addi %parallel_loop3A_396, %parallel_loop3A_413 : i32
        %parallel_loop3A_415 = vector.extract_strided_slice %parallel_loop3A_405 {offsets = [1, 0], sizes = [1, 16], strides = [1, 1]} : vector<2x16xf32> to vector<1x16xf32>
        %parallel_loop3A_416 = vector.shape_cast %parallel_loop3A_415 : vector<1x16xf32> to vector<16xf32>
        %parallel_loop3A_417 = arith.index_cast %parallel_loop3A_378 : i32 to index
        %parallel_loop3A_418 = arith.index_cast %parallel_loop3A_414 : i32 to index
        %parallel_loop3A_419 = tpu.vector_load %arg14[%parallel_loop3A_417, %parallel_loop3A_418] {strides = array<i32>} : memref<16x1024xf32, #tpu.memory_space<vmem>>, vector<1x16xf32>,
        %parallel_loop3A_420 = vector.shape_cast %parallel_loop3A_419 : vector<1x16xf32> to vector<16xf32>
        %parallel_loop3A_421 = vector.shape_cast %parallel_loop3A_416 : vector<16xf32> to vector<1x16xf32>
        tpu.vector_store %arg14[%parallel_loop3A_417, %parallel_loop3A_418], %parallel_loop3A_421 {add = true, strides = array<i32>} : memref<16x1024xf32, #tpu.memory_space<vmem>>, vector<1x16xf32>,
      } {sc.loop_unroll_factor = 8 : i64, sc.parallel_access}
      %mul3A_347 = arith.constant 16 : i32
      %mul3A_348 = arith.muli %add3A_311, %mul3A_347 : i32
      %add3A_349 = arith.addi %mul3A_2, %mul3A_348 : i32
      %dma_start3A_350 = arith.constant 0 : i32
      %dma_start3A_351 = tpu.memref_slice %arg5[%add3A_349, %dma_start3A_350] : memref<32768x1024xf32, #tpu.memory_space<hbm>> -> memref<16x1024xf32, #tpu.memory_space<hbm>>
      %dma_start3A_352 = arith.constant 0 : i32
      %dma_start3A_353 = tpu.memref_slice %arg5[%add3A_349, %dma_start3A_352] : memref<32768x1024xf32, #tpu.memory_space<hbm>> -> memref<16x1024xf32, #tpu.memory_space<hbm>>
      tpu.enqueue_dma source(%arg14 : memref<16x1024xf32, #tpu.memory_space<vmem>>) target(%dma_start3A_353 : memref<16x1024xf32, #tpu.memory_space<hbm>>) target_semaphore(%arg26 : memref<!tpu.dma_semaphore, #tpu.memory_space<semaphore_mem>>)
    }
    %scan3A_153 = arith.constant 15 : i32
    %dma_wait3A_154 = arith.constant 0 : i32
    %dma_wait3A_155 = arith.constant 0 : i32
    %dma_wait3A_156 = tpu.memref_slice %arg5[%dma_wait3A_154, %dma_wait3A_155] : memref<32768x1024xf32, #tpu.memory_space<hbm>> -> memref<16x1024xf32, #tpu.memory_space<hbm>>
    %dma_wait3A_157 = arith.constant 0 : i32
    %dma_wait3A_158 = arith.constant 0 : i32
    %dma_wait3A_159 = tpu.memref_slice %arg5[%dma_wait3A_157, %dma_wait3A_158] : memref<32768x1024xf32, #tpu.memory_space<hbm>> -> memref<16x1024xf32, #tpu.memory_space<hbm>>
    tpu.wait_dma2 semaphore(%arg24 : memref<!tpu.dma_semaphore, #tpu.memory_space<semaphore_mem>>) src(%arg12 : memref<16x1024xf32, #tpu.memory_space<vmem>>) dst(%dma_wait3A_159 : memref<16x1024xf32, #tpu.memory_space<hbm>>)
    %dma_wait3A_160 = arith.constant 0 : i32
    %dma_wait3A_161 = arith.constant 0 : i32
    %dma_wait3A_162 = tpu.memref_slice %arg5[%dma_wait3A_160, %dma_wait3A_161] : memref<32768x1024xf32, #tpu.memory_space<hbm>> -> memref<16x1024xf32, #tpu.memory_space<hbm>>
    %dma_wait3A_163 = arith.constant 0 : i32
    %dma_wait3A_164 = arith.constant 0 : i32
    %dma_wait3A_165 = tpu.memref_slice %arg5[%dma_wait3A_163, %dma_wait3A_164] : memref<32768x1024xf32, #tpu.memory_space<hbm>> -> memref<16x1024xf32, #tpu.memory_space<hbm>>
    tpu.wait_dma2 semaphore(%arg25 : memref<!tpu.dma_semaphore, #tpu.memory_space<semaphore_mem>>) src(%arg13 : memref<16x1024xf32, #tpu.memory_space<vmem>>) dst(%dma_wait3A_165 : memref<16x1024xf32, #tpu.memory_space<hbm>>)
    %dma_wait3A_166 = arith.constant 0 : i32
    %dma_wait3A_167 = arith.constant 0 : i32
    %dma_wait3A_168 = tpu.memref_slice %arg5[%dma_wait3A_166, %dma_wait3A_167] : memref<32768x1024xf32, #tpu.memory_space<hbm>> -> memref<16x1024xf32, #tpu.memory_space<hbm>>
    %dma_wait3A_169 = arith.constant 0 : i32
    %dma_wait3A_170 = arith.constant 0 : i32
    %dma_wait3A_171 = tpu.memref_slice %arg5[%dma_wait3A_169, %dma_wait3A_170] : memref<32768x1024xf32, #tpu.memory_space<hbm>> -> memref<16x1024xf32, #tpu.memory_space<hbm>>
    tpu.wait_dma2 semaphore(%arg26 : memref<!tpu.dma_semaphore, #tpu.memory_space<semaphore_mem>>) src(%arg14 : memref<16x1024xf32, #tpu.memory_space<vmem>>) dst(%dma_wait3A_171 : memref<16x1024xf32, #tpu.memory_space<hbm>>)
    return
  }
}

</mosaic_0001>

<sc_bundles>
// kernel: _run.3.cloned.1.call-start
scs
__scs_entry_jumppad:
0x0: {  	(pc) =	sbr.rel $0x88, $3  }
0x1: {  	(tag) =	ssettag $0x0;
	lr =	simm.s32 $0x1  }
0x2: {  	[smem:$0x3F9E] =	sst lr;
	_ =	strace $0xD0000000  }
0x3: {  	_ = 	snop  }
0x4: {  	_ = 	snop  }
0x5: {  	_ = 	snop  }
0x6: {  	_ = 	snop  }
0x7: {  	_ = 	snop  }
__scs_overlays_trampoline_lowered:
0x8: {  	[smem:$0x3FAD] =	sst s0  }
0x9: {  	[smem:$0x3FAE] =	sst s1  }
0xa: {  	[smem:$0x3FAF] =	sst s2  }
0xb: {  	[smem:$0x3FB0] =	sst s3  }
0xc: {  	[smem:$0x3FB1] =	sst s4  }
0xd: {  	[smem:$0x3FB2] =	sst s5  }
0xe: {  	[smem:$0x3FB3] =	sst s6  }
0xf: {  	[smem:$0x3FB4] =	sst s7  }
0x10: {  	[smem:$0x3FB5] =	sst s8  }
0x11: {  	[smem:$0x3FB6] =	sst s9;
	s0 =	simm.s32 @!p0 $0x0  }
0x12: {  	s1 =	sld [smem:$0x3F9C];
	s0 =	simm.s32 @p0 $0x1  }
0x13: {  	[smem:$0x3FB7] =	sst s0;
	s0 =	simm.s32 @!p1 $0x0  }
0x14: {  	s2 =	sld [smem:$0x3F9B];
	s0 =	simm.s32 @p1 $0x1  }
0x15: {  	[smem:$0x3FB8] =	sst s0;
	s0 =	simm.s32 @!p2 $0x0  }
0x16: {  	s3 =	sld [smem:$0x3FDB];
	s0 =	simm.s32 @p2 $0x1  }
0x17: {  	s4 =	simm.s32 $0x1BF5;
	[smem:$0x3FBA] =	sst s0  }
0x18: {  	s0 =	sld [smem:$0x3F9D];
	_ =	swait.ge [sflag:s4], $0x0  }
0x19: {  	s7 =	sld [smem:$0x3F9E]  }
0x1a: {  	s8 =	sadd.s32 $0xFFFFE003, lr  }
0x1b: {  	s9 =	sadd.s32 $0xFFFFFEF7, lr;
	s5 =	simm.s32 $0xFFFFFFFF;
	p2 =	slt.u32 s8, $0xFFFFF086  }
0x1c: {  	p1 =	slt.u32 s9, $0xF7A;
	s5 =	simm.s32 @!p2 $0x0  }
0x1d: {  	s5 =	simm.s32 @p1 $0x1;
	p0 =	seq.s32 s7, s2  }
0x1e: {  	s7 =	smul.u32 @!p0 $0xF7A, s2;
	p2 =	seq.s32 @!p0 s5, $0x0  }
0x1f: {  	s9 =	smul.u32 $0xF7A, s1;
	s8 =	simm.s32 @!p0 $0x1BF5;
	p2 =	por !p2, p0  }
0x20: {  	[sflag:s8] =	ssyncset.s32 @!p0 $0xFFFFF086;
	s6 =	sadd.s32 @!p0 s3, s7;
	s7 =	simm.s32 @!p0 $0x108  }
0x21: {  	s3 =	sadd.s32 s3, s9;
	s6 =	sadd.s32 @!p0 $0x88, s6;
	s7 =	simm.s32 @p2 $0x1082  }
0x22: {  	[simem:s7], [sflag:s8] =	dma.local @!p0 [hbm:s6], $0xF7A  }
0x23: {  	s9 =	sor.u32 $0xD0000000, s2;
	s6 =	simm.s32 $0x108;
	_ =	swait.ge @!p0 [sflag:s8], $0x0  }
0x24: {  	s3 =	sadd.s32 $0x88, s3;
	s6 =	simm.s32 @!p1 $0x1082;
	[sflag:s4] =	ssyncset.s32 $0xFFFFF086  }
0x25: {  	[simem:s6], [sflag:s4] =	dma.local [hbm:s3], $0xF7A  }
0x26: {  	[smem:$0x3F9E] =	sst s1;
	(tag) =	ssettag s2;
	_ =	strace s9  }
0x27: {  	s1 =	sld [smem:$0x3FAE]  }
0x28: {  	s2 =	sld [smem:$0x3FAF]  }
0x29: {  	s4 =	sld [smem:$0x3FB1]  }
0x2a: {  	p0 =	seq.s32 s5, $0x0;
	s5 =	sld [smem:$0x3FB2]  }
0x2b: {  	s6 =	sld [smem:$0x3FB3]  }
0x2c: {  	s7 =	sld [smem:$0x3FB4]  }
0x2d: {  	s3 =	simm.s32 $0x108;
	s8 =	sld [smem:$0x3FB5]  }
0x2e: {  	s3 =	simm.s32 @!p0 $0x1082;
	s9 =	sld [smem:$0x3FB6]  }
0x2f: {  	lr =	sadd.s32 s0, s3;
	s0 =	sld [smem:$0x3FAD]  }
0x30: {  	s3 =	sld [smem:$0x3FB0]  }
0x31: {  	[smem:$0x3FB9] =	sst s10  }
0x32: {  	s10 =	sld [smem:$0x3FB7];
	_ =	sdelay $0x3  }
0x33: {  	p0 =	seq.s32 s10, $0x1;
	s10 =	sld [smem:$0x3FB9];
	_ =	sdelay $0x3  }
0x34: {  	[smem:$0x3FB9] =	sst s10  }
0x35: {  	s10 =	sld [smem:$0x3FB8];
	_ =	sdelay $0x3  }
0x36: {  	p1 =	seq.s32 s10, $0x1;
	s10 =	sld [smem:$0x3FB9];
	_ =	sdelay $0x3  }
0x37: {  	[smem:$0x3FB9] =	sst s10  }
0x38: {  	s10 =	sld [smem:$0x3FBA]  }
0x39: {  	_ = 	snop;
	(pc) =	sbr.ind lr, $3  }
0x3a: {  	_ = 	snop  }
0x3b: {  	_ = 	snop  }
0x3c: {  	p2 =	seq.s32 s10, $0x1;
	s10 =	sld [smem:$0x3FB9]  }
0x3d: {  	_ =	shalt  }
0x3e: {  	_ =	shalt  }
0x3f: {  	_ =	shalt  }
0x40: {  	_ =	shalt  }
0x41: {  	_ =	shalt  }
0x42: {  	_ =	shalt  }
0x43: {  	_ =	shalt  }
0x44: {  	_ =	shalt  }
0x45: {  	_ =	shalt  }
0x46: {  	_ =	shalt  }
0x47: {  	_ =	shalt  }
0x48: {  	_ =	shalt  }
0x49: {  	_ =	shalt  }
0x4a: {  	_ =	shalt  }
0x4b: {  	_ =	shalt  }
0x4c: {  	_ =	shalt  }
0x4d: {  	_ =	shalt  }
0x4e: {  	_ =	shalt  }
0x4f: {  	_ =	shalt  }
0x50: {  	_ =	shalt  }
0x51: {  	_ =	shalt  }
0x52: {  	_ =	shalt  }
0x53: {  	_ =	shalt  }
0x54: {  	_ =	shalt  }
0x55: {  	_ =	shalt  }
0x56: {  	_ =	shalt  }
0x57: {  	_ =	shalt  }
0x58: {  	_ =	shalt  }
0x59: {  	_ =	shalt  }
0x5a: {  	_ =	shalt  }
0x5b: {  	_ =	shalt  }
0x5c: {  	_ =	shalt  }
0x5d: {  	_ =	shalt  }
0x5e: {  	_ =	shalt  }
0x5f: {  	_ =	shalt  }
0x60: {  	_ =	shalt  }
0x61: {  	_ =	shalt  }
0x62: {  	_ =	shalt  }
0x63: {  	_ =	shalt  }
0x64: {  	_ =	shalt  }
0x65: {  	_ =	shalt  }
0x66: {  	_ =	shalt  }
0x67: {  	_ =	shalt  }
0x68: {  	_ =	shalt  }
0x69: {  	_ =	shalt  }
0x6a: {  	_ =	shalt  }
0x6b: {  	_ =	shalt  }
0x6c: {  	_ =	shalt  }
0x6d: {  	_ =	shalt  }
0x6e: {  	_ =	shalt  }
0x6f: {  	_ =	shalt  }
0x70: {  	_ =	shalt  }
0x71: {  	_ =	shalt  }
0x72: {  	_ =	shalt  }
0x73: {  	_ =	shalt  }
0x74: {  	_ =	shalt  }
0x75: {  	_ =	shalt  }
0x76: {  	_ =	shalt  }
0x77: {  	_ =	shalt  }
0x78: {  	_ =	shalt  }
0x79: {  	_ =	shalt  }
0x7a: {  	_ =	shalt  }
0x7b: {  	_ =	shalt  }
0x7c: {  	_ =	shalt  }
0x7d: {  	_ =	shalt  }
0x7e: {  	_ =	shalt  }
0x7f: {  	_ =	shalt  }
0x80: {  	_ =	shalt  }
0x81: {  	_ =	shalt  }
0x82: {  	_ =	shalt  }
0x83: {  	_ =	shalt  }
0x84: {  	_ =	shalt  }
0x85: {  	_ =	shalt  }
0x86: {  	_ =	shalt  }
0x87: {  	_ =	shalt  }
.Lfunc_end0:
.L_simem_size_0:
called_computation_lowered:
.L_overlay_start_0:
0x88: {  	s2 =	sld [smem:$0x3FD9]  }
0x89: {  	s3 =	sld [smem:$0x3FFE];
	_ =	sdelay $0x1  }
0x8a: {  	s1 =	srdreg.scid  }
0x8b: {  	s0 =	sand.u32 $0x1, s1  }
0x8c: {  	s18 =	sshll.u32 s0, $0xA;
	s2 =	sadd.s32 s3, s2  }
0x8d: {  	s2 =	sadd.s32 s2, s18  }
0x8e: {  	[smem:$0x3FC5] =	sst s2  }
0x8f: {  	_ = 	snop  }
0x90: {  	s2 =	sld [smem:$0x3FC9]  }
0x91: {  	s19 =	sld [smem:$0x3FC8]  }
0x92: {  	s4 =	sld [smem:$0x3FC7]  }
0x93: {  	s5 =	sld [smem:$0x3FD0];
	(tm) =	ssettm $0x1  }
0x94: {  	s6 =	sld [smem:$0x3FFB];
	_ =	sdelay $0x3  }
0x95: {  	_ =	strace s6  }
0x96: {  	s6 =	sld [smem:$0x3FFC];
	_ =	sdelay $0x3  }
0x97: {  	_ =	strace s6  }
0x98: {  	s6 =	sld [smem:$0x3FFD];
	_ =	sdelay $0x3  }
0x99: {  	_ =	strace s6  }
0x9a: {  	_ =	strace $0x8FFFFFFF  }
0x9b: {  	s20 =	sld [smem:$0x3FDB];
	_ =	sdelay $0x1  }
0x9c: {  	s7 =	simm.s32 $_scs_section_size  }
0x9d: {  	s8 =	simm.s32 $_size__tile_overlayer_lowered;
	s9 =	simm.s32 $_tile_overlayer_lowered  }
0x9e: {  	s23 =	simm.s32 $0x1BFF;
	s22 =	sshll.u32 s9, $0x1;
	s6 =	sadd.s32 s7, s20  }
0x9f: {  	s10 =	simm.s32 $0x0;
	s21 =	sshll.u32 s8, $0x1;
	s8 =	sadd.s32 s22, s6  }
0xa0: {  	[timem:s10], [sflag:s23] =	dma.local [hbm:s8], s21  }
0xa1: {  	_ =	swait.ge [sflag:s23], s21  }
0xa2: {  	s7 =	ssub.s32 $0x0, s21;
	[sflag:s23] =	ssyncset.done $0x0  }
0xa3: {  	[sflag:s23] =	ssyncadd.s32 s7;
	_ =	sdelay $0x1  }
0xa4: {  	s24 =	simm.s32 $0x1B8B  }
0xa5: {  	_ =	swait.ge [sflag:s24], $0x1  }
0xa6: {  	[sflag:s24] =	ssyncset.done $0x0  }
0xa7: {  	s25 =	simm.s32 $0x1B8E;
	[sflag:s24] =	ssyncadd.s32 $0xFFFFFFFF  }
0xa8: {  	s26 =	simm.s32 $execute0_lowered;
	[smem:$0x3FD2] =	sst s25  }
0xa9: {  	s7 =	sshll.u32 s26, $0x1;
	_ =	strace $0x80000046;
	[dreg:$0x1] =	wrdreg $0xFFFFFFFF  }
0xaa: {  	s28 =	simm.s32 $_size_execute0_lowered;
	s6 =	sadd.s32 s6, s7;
	[dreg:$0x0] =	wrdreg $0x0  }
0xab: {  	s7 =	sshll.u32 s28, $0x1;
	[dreg:$0x2] =	wrdreg s6  }
0xac: {  	[dreg:$0x3] =	wrdreg s7  }
0xad: {  	[dreg:$0x4] =	wrdreg $0xC0  }
0xae: {  	_ =	task [dreg:s10], $0x5FFFF  }
0xaf: {  	[dreg:$0x1] =	wrdreg $0xFFFFFFFF  }
0xb0: {  	[dreg:$0x0] =	wrdreg $0x60  }
0xb1: {  	[dreg:$0x2] =	wrdreg s2  }
0xb2: {  	[dreg:$0x3] =	wrdreg s19  }
0xb3: {  	[dreg:$0x4] =	wrdreg s4  }
0xb4: {  	[dreg:$0x5] =	wrdreg s5  }
0xb5: {  	[dreg:$0x6] =	wrdreg $0x9  }
0xb6: {  	_ =	task.clear_ibuf [dreg:s10], $0x7FFFF;
	_ =	strace $0x90000046  }
0xb7: {  	s29 =	simm.s32 $0x9;
	_ =	strace $0x80000048  }
0xb8: {  	_ =	swait.ge [sflag:s29], $0x1  }
0xb9: {  	[sflag:s29] =	ssyncadd.s32 $0xFFFFFFFF  }
0xba: {  	_ =	strace $0x90000048  }
0xbb: {  	_ =	sfence  }
0xbc: {  	s30 =	sld [smem:$0x0];
	_ =	sdelay $0x2  }
0xbd: {  	s31 =	sshll.u32 s1, $0xD;
	s1 =	sshrl.u32 s1, $0x2  }
0xbe: {  	s3 =	sand.u32 $0x4000, s31;
	s1 =	sadd.s32 s1, s30  }
0xbf: {  	s0 =	sor.u32 s3, s0;
	s1 =	sshll.u32 s1, $0x11  }
0xc0: {  	s0 =	sor.u32 s1, s0  }
0xc1: {  	s0 =	sadd.s32 $0x8F2B, s0  }
0xc2: {  	[sflag:s0] =	ssyncadd.remote.s32 $0x1  }
0xc3: {  	_ =	sfence.sel $0xFFFF  }
0xc4: {  	[dreg:$0x0] =	wrdreg $0xFFFFFFFF;
	(pc) =	sbr.abs _section_cstart, $3  }
0xc5: {  	[dreg:$0x1] =	wrdreg $0xFFFFFFFF  }
0xc6: {  	_ =	task.clear_ibuf [dreg:s10], $0x2FFFF;
	_ =	strace $0x9FFFFFFF  }
0xc7: {  	(tm) =	ssettm $0x7FFFFFFF  }
tec
execute0_lowered:
.L_overlay_start_1:
0x0: {  	(tag) =	ssettag $0x1  }
0x1: {  	s1 =	rddreg [dreg:$0x0]  }
0x2: {  	s0 =	rddreg [dreg:$0x1]  }
0x3: {  	s3 =	rddreg [dreg:$0x2]  }
0x4: {  	s9 =	rddreg [dreg:$0x3]  }
0x5: {  	s2 =	srdreg.scid;
	s4 =	stileid.u32  }
0x6: {  	s5 =	simm.s32 $0x0;
	s14 =	simm.s32 $0xC00;
	s11 =	simm.s32 $0x6  }
0x7: {  	s13 =	simm.s32 $0x2;
	s15 =	simm.s32 $0x7;
	s2 =	sand.u32 $0x1, s2  }
0x8: {  	s16 =	simm.s32 $0x3;
	s6 =	sshll.u32 s4, $0xB;
	s7 =	sshll.u32 s2, $0xA  }
0x9: {  	s17 =	simm.s32 $0x9;
	s18 =	simm.s32 $0x8;
	s6 =	sor.u32 s7, s6  }
0xa: {  	s19 =	simm.s32 $0x4;
	[smem:$0x7FF] =	sst s5;
	s8 =	sshrl.u32 s6, $0x3  }
0xb: {  	s2 =	ssub.s32 $0x2, s2;
	s7 =	sshll.u32 s6, $0x7;
	s0 =	sadd.s32 s0, s8  }
0xc: {  	_ =	strace $0x80000047;
	s24 =	sadd.s32 s9, s7;
	[dreg:$0x5] =	wrdreg s0  }
0xd: {  	s21 =	sshrl.u32 s2, $0x1;
	s6 =	sor.u32 $0x800, s7;
	[dreg:$0x9] =	wrdreg s24  }
0xe: {  	s2 =	ssub.s32 s2, s21;
	s22 =	sadd.s32 s1, s7;
	[dreg:$0x7] =	wrdreg s6  }
0xf: {  	s20 =	simm.s32 $0xA;
	s30 =	smax.u32 s2, $0x1;
	[dreg:$0x6] =	wrdreg s22  }
0x10: {  	s25 =	sor.u32 $0x1000, s7;
	s23 =	sadd.s32 s1, s6;
	[dreg:$0x10] =	wrdreg s30  }
0x11: {  	s31 =	simm.s32 $0xB;
	s10 =	sadd.s32 s1, s25;
	[dreg:$0x8] =	wrdreg s23  }
0x12: {  	s26 =	sor.u32 $0x1800, s7;
	s6 =	sadd.s32 s9, s6;
	[dreg:$0xa] =	wrdreg s10  }
0x13: {  	s4 =	simm.s32 $0x400;
	s1 =	sadd.s32 s1, s26;
	[dreg:$0xb] =	wrdreg s6  }
0x14: {  	s8 =	sadd.s32 $0x100, s3;
	s0 =	sadd.s32 s9, s25;
	[dreg:$0xc] =	wrdreg s1  }
0x15: {  	v2 =	vlaneseq.u32;
	s2 =	simm.s32 $0x0;
	s28 =	sadd.s32 $0x2000, s22;
	[dreg:$0xd] =	wrdreg s0  }
0x16: {  	vm0 =	vmmov $0xffff;
	v1 =	vshrl.u32 v2, $0x3;
	s29 =	sadd.s32 s9, s26;
	s24 =	simm.s32 $0x1C00;
	[dreg:$0xe] =	wrdreg s28  }
0x17: {  	v0 =	vand.u32 $0x7, v2;
	v2 =	vor.u32 $0x8, v2;
	v1 =	vmul.u32 $0x8, v1;
	[dreg:$0xf] =	wrdreg s29;
	s23 =	simm.s32 $0x1400;
	s0 =	simm.s32 $0xC  }
.LBB2_1:
0x18: {  	[dreg:$0x11] =	wrdreg s2  }
0x19: {  	s1 =	rddreg [dreg:$0x5];
	s12 =	simm.s32 $0xD  }
0x1a: {  	[tilespmem:s5], [sflag:$0xD] =	stream.linear.gather [hbm4b:s1+s5], $0x400, $0x38;
	[tilespmem:$0x18400] =	vst v63  }
0x1b: {  	_ =	swait.ge [sflag:s12], $0x400  }
0x1c: {  	[sflag:s12] =	ssyncset.done $0x0  }
0x1d: {  	[sflag:s12] =	ssyncadd.s32 $0xFFFFFC00  }
0x1e: {  	v3 =	vld [tilespmem:$0x0];
	_ =	sdelay $0x4  }
0x1f: {  	v4 =	vshll.u32 v3, $0x2  }
0x20: {  	v3 =	vand.u32 $0x7, v3;
	v4 =	vand.u32 $0xFFFFFFE0, v4  }
0x21: {  	v3 =	vor.u32 v3, v4  }
0x22: {  	v4 =	vperm.xlane v3, v0;
	_ =	sdelay $0x1  }
0x23: {  	v4 =	vadd.s32 v1, v4;
	_ =	sdelay $0x1  }
0x24: {  	v3 =	vperm.xlane v3, v2;
	_ =	sdelay $0x1  }
0x25: {  	v3 =	vadd.s32 v1, v3  }
0x26: {  	[tilespmem:s4], [sflag:$0x1] =	stream.indirect_vreg.gather [hbm4b:s3+s5], $0x80, v4, vm0, $0xb8;
	[tilespmem:$0x18400] =	vst v63  }
0x27: {  	_ = 	snop  }
0x28: {  	[tilespmem:s14], [sflag:$0x1] =	stream.indirect_vreg.gather [hbm4b:s8+s5], $0x80, v4, vm0, $0xb8;
	[tilespmem:$0x18400] =	vst v63  }
0x29: {  	_ = 	snop  }
0x2a: {  	[tilespmem:s23], [sflag:$0x1] =	stream.indirect_vreg.gather [hbm4b:s3+s5], $0x80, v3, vm0, $0xb8;
	[tilespmem:$0x18400] =	vst v63  }
0x2b: {  	_ = 	snop  }
0x2c: {  	[tilespmem:s24], [sflag:$0x1] =	stream.indirect_vreg.gather [hbm4b:s8+s5], $0x80, v3, vm0, $0xb8;
	[tilespmem:$0x18400] =	vst v63  }
0x2d: {  	v3 =	vld [tilespmem:$0x10];
	_ =	sdelay $0x4  }
0x2e: {  	v4 =	vshll.u32 v3, $0x2  }
0x2f: {  	v3 =	vand.u32 $0x7, v3;
	v4 =	vand.u32 $0xFFFFFFE0, v4  }
0x30: {  	v3 =	vor.u32 v3, v4  }
0x31: {  	v4 =	vperm.xlane v3, v0;
	_ =	sdelay $0x1  }
0x32: {  	v4 =	vadd.s32 v1, v4;
	_ =	sdelay $0x1  }
0x33: {  	v3 =	vperm.xlane v3, v2;
	_ =	sdelay $0x1  }
0x34: {  	s21 =	simm.s32 $0x2400;
	v3 =	vadd.s32 v1, v3  }
0x35: {  	[tilespmem:s21], [sflag:$0x2] =	stream.indirect_vreg.gather [hbm4b:s3+s5], $0x80, v4, vm0, $0xb8;
	[tilespmem:$0x18400] =	vst v63  }
0x36: {  	s22 =	simm.s32 $0x2C00  }
0x37: {  	[tilespmem:s22], [sflag:$0x2] =	stream.indirect_vreg.gather [hbm4b:s8+s5], $0x80, v4, vm0, $0xb8;
	[tilespmem:$0x18400] =	vst v63  }
0x38: {  	s25 =	simm.s32 $0x3400  }
0x39: {  	[tilespmem:s25], [sflag:$0x2] =	stream.indirect_vreg.gather [hbm4b:s3+s5], $0x80, v3, vm0, $0xb8;
	[tilespmem:$0x18400] =	vst v63  }
0x3a: {  	s26 =	simm.s32 $0x3C00  }
0x3b: {  	[tilespmem:s26], [sflag:$0x2] =	stream.indirect_vreg.gather [hbm4b:s8+s5], $0x80, v3, vm0, $0xb8;
	[tilespmem:$0x18400] =	vst v63  }
0x3c: {  	s29 =	simm.s32 $0x8400;
	s28 =	rddreg [dreg:$0x6]  }
0x3d: {  	[tilespmem:s29], [sflag:$0x5] =	stream.linear.gather [hbm4b:s28+s5], $0x4000, $0x38;
	[tilespmem:$0x18400] =	vst v63  }
0x3e: {  	v3 =	vld [tilespmem:$0x20];
	_ =	sdelay $0x4  }
0x3f: {  	v4 =	vshll.u32 v3, $0x2  }
0x40: {  	v3 =	vand.u32 $0x7, v3;
	v4 =	vand.u32 $0xFFFFFFE0, v4  }
0x41: {  	v3 =	vor.u32 v3, v4  }
0x42: {  	v4 =	vperm.xlane v3, v0;
	_ =	sdelay $0x1  }
0x43: {  	v4 =	vadd.s32 v1, v4;
	_ =	sdelay $0x1  }
0x44: {  	v3 =	vperm.xlane v3, v2;
	_ =	sdelay $0x1  }
0x45: {  	s30 =	simm.s32 $0x4400;
	v3 =	vadd.s32 v1, v3  }
0x46: {  	[tilespmem:s30], [sflag:$0x3] =	stream.indirect_vreg.gather [hbm4b:s3+s5], $0x80, v4, vm0, $0xb8;
	[tilespmem:$0x18400] =	vst v63  }
0x47: {  	s2 =	simm.s32 $0x4C00  }
0x48: {  	[tilespmem:s2], [sflag:$0x3] =	stream.indirect_vreg.gather [hbm4b:s8+s5], $0x80, v4, vm0, $0xb8;
	[tilespmem:$0x18400] =	vst v63  }
0x49: {  	s6 =	simm.s32 $0x5400  }
0x4a: {  	[tilespmem:s6], [sflag:$0x3] =	stream.indirect_vreg.gather [hbm4b:s3+s5], $0x80, v3, vm0, $0xb8;
	[tilespmem:$0x18400] =	vst v63  }
0x4b: {  	s9 =	simm.s32 $0x5C00  }
0x4c: {  	[tilespmem:s9], [sflag:$0x3] =	stream.indirect_vreg.gather [hbm4b:s8+s5], $0x80, v3, vm0, $0xb8;
	[tilespmem:$0x18400] =	vst v63  }
0x4d: {  	s10 =	rddreg [dreg:$0x8];
	s12 =	simm.s32 $0xC400;
	s21 =	simm.s32 $0x5  }
0x4e: {  	[tilespmem:s12], [sflag:$0x6] =	stream.linear.gather [hbm4b:s10+s5], $0x4000, $0x38;
	[tilespmem:$0x18400] =	vst v63  }
0x4f: {  	s22 =	simm.s32 $0x0;
	_ =	swait.ge [sflag:s21], $0x4000  }
0x50: {  	s25 =	simm.s32 $0x1;
	s6 =	simm.s32 $0x0;
	[sflag:s21] =	ssyncset.done $0x0  }
0x51: {  	s2 =	sand.u32 $0x2000, s22;
	s6 =	sand.u32 $0xC00, s6;
	[sflag:s21] =	ssyncadd.s32 $0xFFFFC000  }
0x52: {  	s9 =	sshrl.u32 s2, $0x1;
	s10 =	simm.s32 $0x0;
	_ =	swait.ge [sflag:s25], $0x2000  }
0x53: {  	s9 =	sor.u32 s6, s9;
	s10 =	sand.u32 $0x380, s10;
	[sflag:s25] =	ssyncset.done $0x0  }
0x54: {  	s9 =	sor.u32 s10, s9;
	[sflag:s25] =	ssyncadd.s32 $0xFFFFE000  }
0x55: {  	v3 =	vld [tilespmem:s9+$0x470]  }
0x56: {  	v4 =	vld [tilespmem:s9+$0x400]  }
0x57: {  	v5 =	vld [tilespmem:s9+$0x410]  }
0x58: {  	s2 =	sor.u32 $0x8400, s2;
	v6 =	vld [tilespmem:s9+$0x420]  }
0x59: {  	s6 =	sadd.s32 s6, s2;
	v7 =	vld [tilespmem:s9+$0x430]  }
0x5a: {  	s12 =	sand.u32 $0xC00, s5;
	s6 =	sor.u32 s10, s6;
	v8 =	vld [tilespmem:s9+$0x440]  }
0x5b: {  	s2 =	sadd.s32 s12, s2;
	s26 =	sor.u32 $0x70, s6;
	v10 =	vld [tilespmem:s9+$0x460];
	v9 =	vunpack.i.l.bf16.f32 v3  }
0x5c: {  	s2 =	sor.u32 s10, s2;
	v3 =	vunpack.i.u.bf16.f32 v3;
	[tilespmem:s26+$0x0] =	vst.add.f32.msk $0xffff, v9  }
0x5d: {  	[tilespmem:s2+$0x1070] =	vst.add.f32.msk $0xffff, v3  }
0x5e: {  	v9 =	vunpack.i.l.bf16.f32 v4;
	v3 =	vld [tilespmem:s9+$0x450]  }
0x5f: {  	v4 =	vunpack.i.u.bf16.f32 v4;
	[tilespmem:s6+$0x0] =	vst.add.f32.msk $0xffff, v9  }
0x60: {  	s28 =	sor.u32 $0x10, s6;
	v9 =	vunpack.i.l.bf16.f32 v5;
	[tilespmem:s6+$0x1000] =	vst.add.f32.msk $0xffff, v4  }
0x61: {  	s29 =	sor.u32 $0x20, s6;
	v4 =	vunpack.i.u.bf16.f32 v5;
	v5 =	vunpack.i.l.bf16.f32 v6;
	[tilespmem:s28+$0x0] =	vst.add.f32.msk $0xffff, v9  }
0x62: {  	[tilespmem:s29+$0x0] =	vst.add.f32.msk $0xffff, v5  }
0x63: {  	[tilespmem:s2+$0x1010] =	vst.add.f32.msk $0xffff, v4;
	v4 =	vunpack.i.u.bf16.f32 v6  }
0x64: {  	s30 =	sor.u32 $0x30, s6;
	v9 =	vunpack.i.u.bf16.f32 v7;
	v6 =	vunpack.i.l.bf16.f32 v7;
	[tilespmem:s2+$0x1020] =	vst.add.f32.msk $0xffff, v4  }
0x65: {  	s10 =	simm.s32 $0x0;
	s21 =	simm.s32 $0x0;
	s22 =	sor.u32 $0x40, s6;
	v5 =	vunpack.i.u.bf16.f32 v8;
	v7 =	vunpack.i.l.bf16.f32 v8;
	[tilespmem:s30+$0x0] =	vst.add.f32.msk $0xffff, v6;
	v6 =	vunpack.i.l.bf16.f32 v10  }
0x66: {  	s12 =	sor.u32 $0x50, s6;
	s25 =	simm.s32 $0x0;
	s9 =	sor.u32 $0x60, s6;
	[tilespmem:s2+$0x1030] =	vst.add.f32.msk $0xffff, v9;
	v4 =	vunpack.i.u.bf16.f32 v3;
	v8 =	vunpack.i.l.bf16.f32 v3;
	v3 =	vunpack.i.u.bf16.f32 v10  }
.LBB2_2:
0x67: {  	s21 =	sadd.s32 $0x8, s21;
	[tilespmem:s22+$0x0] =	vst.add.f32.msk $0xffff, v7  }
0x68: {  	s10 =	sadd.s32 $0x1000, s10;
	s6 =	sshll.u32 s21, $0x5;
	p0 =	slt.u32 s21, $0x1F8;
	[tilespmem:s2+$0x1040] =	vst.add.f32.msk $0xffff, v5  }
0x69: {  	s22 =	sshrl.u32 s10, $0x2;
	s6 =	sand.u32 $0x2000, s6;
	[tilespmem:s12+$0x0] =	vst.add.f32.msk $0xffff, v8  }
0x6a: {  	s26 =	sshll.u32 s21, $0x2;
	s22 =	sand.u32 $0xC00, s22;
	s12 =	sshrl.u32 s6, $0x1;
	[tilespmem:s2+$0x1050] =	vst.add.f32.msk $0xffff, v4  }
0x6b: {  	s26 =	sand.u32 $0x380, s26;
	s12 =	sor.u32 s22, s12;
	[tilespmem:s9+$0x0] =	vst.add.f32.msk $0xffff, v6  }
0x6c: {  	s28 =	sor.u32 s26, s12;
	[tilespmem:s2+$0x1060] =	vst.add.f32.msk $0xffff, v3  }
0x6d: {  	v3 =	vld [tilespmem:s28+$0x470]  }
0x6e: {  	v4 =	vld [tilespmem:s28+$0x400]  }
0x6f: {  	s2 =	sor.u32 $0x8400, s6;
	v5 =	vld [tilespmem:s28+$0x410]  }
0x70: {  	s25 =	sadd.s32 $0x400, s25;
	s6 =	sadd.s32 s22, s2;
	v6 =	vld [tilespmem:s28+$0x420]  }
0x71: {  	s9 =	sand.u32 $0xC00, s25;
	s6 =	sor.u32 s26, s6;
	v7 =	vld [tilespmem:s28+$0x430]  }
0x72: {  	s2 =	sadd.s32 s9, s2;
	s29 =	sor.u32 $0x10, s6;
	s9 =	sor.u32 $0x70, s6;
	v8 =	vld [tilespmem:s28+$0x440];
	v9 =	vunpack.i.l.bf16.f32 v3  }
0x73: {  	s2 =	sor.u32 s26, s2;
	s26 =	sor.u32 $0x20, s6;
	s30 =	sor.u32 $0x30, s6;
	v3 =	vunpack.i.u.bf16.f32 v3;
	v10 =	vunpack.i.u.bf16.f32 v4;
	v4 =	vunpack.i.l.bf16.f32 v4;
	[tilespmem:s9+$0x0] =	vst.add.f32.msk $0xffff, v9  }
0x74: {  	s22 =	sor.u32 $0x40, s6;
	s12 =	sor.u32 $0x50, s6;
	s9 =	sor.u32 $0x60, s6;
	v9 =	vunpack.i.u.bf16.f32 v5;
	v11 =	vunpack.i.l.bf16.f32 v5;
	[tilespmem:s2+$0x1070] =	vst.add.f32.msk $0xffff, v3  }
0x75: {  	v12 =	vunpack.i.u.bf16.f32 v6;
	v3 =	vunpack.i.l.bf16.f32 v6;
	v6 =	vld [tilespmem:s28+$0x450]  }
0x76: {  	v13 =	vunpack.i.u.bf16.f32 v7;
	v14 =	vunpack.i.l.bf16.f32 v7;
	v15 =	vld [tilespmem:s28+$0x460]  }
0x77: {  	[tilespmem:s6+$0x0] =	vst.add.f32.msk $0xffff, v4;
	v5 =	vunpack.i.u.bf16.f32 v8;
	v7 =	vunpack.i.l.bf16.f32 v8  }
0x78: {  	[tilespmem:s6+$0x1000] =	vst.add.f32.msk $0xffff, v10  }
0x79: {  	[tilespmem:s29+$0x0] =	vst.add.f32.msk $0xffff, v11  }
.Ltmp0:
0x7a: {  	[tilespmem:s2+$0x1010] =	vst.add.f32.msk $0xffff, v9;
	v4 =	vunpack.i.u.bf16.f32 v6;
	v8 =	vunpack.i.l.bf16.f32 v6;
	(pc) =	sbr.rel @p0 .LBB2_2-.Ltmp0, $4  }
0x7b: {  	[tilespmem:s26+$0x0] =	vst.add.f32.msk $0xffff, v3;
	v3 =	vunpack.i.u.bf16.f32 v15;
	v6 =	vunpack.i.l.bf16.f32 v15  }
0x7c: {  	[tilespmem:s2+$0x1020] =	vst.add.f32.msk $0xffff, v12  }
0x7d: {  	[tilespmem:s30+$0x0] =	vst.add.f32.msk $0xffff, v14  }
0x7e: {  	[tilespmem:s2+$0x1030] =	vst.add.f32.msk $0xffff, v13  }
0x7f: {  	[tilespmem:s22+$0x0] =	vst.add.f32.msk $0xffff, v7  }
0x80: {  	[tilespmem:s12+$0x0] =	vst.add.f32.msk $0xffff, v8  }
0x81: {  	[tilespmem:s9+$0x0] =	vst.add.f32.msk $0xffff, v6  }
0x82: {  	[tilespmem:s2+$0x1040] =	vst.add.f32.msk $0xffff, v5  }
0x83: {  	[tilespmem:s2+$0x1050] =	vst.add.f32.msk $0xffff, v4  }
0x84: {  	[tilespmem:s2+$0x1060] =	vst.add.f32.msk $0xffff, v3  }
0x85: {  	s6 =	simm.s32 $0x8400;
	s2 =	simm.s32 $0x0;
	s1 =	rddreg [dreg:$0x9]  }
0x86: {  	[hbm4b:s1+s2] =	stream.linear.scatter [tilespmem:s6], [sflag:$0x9], $0x4000, $0x38;
	[tilespmem:$0x18400] =	vst v63  }
0x87: {  	v3 =	vld [tilespmem:$0x30];
	_ =	sdelay $0x4  }
0x88: {  	v4 =	vshll.u32 v3, $0x2  }
0x89: {  	v3 =	vand.u32 $0x7, v3;
	v4 =	vand.u32 $0xFFFFFFE0, v4  }
0x8a: {  	v3 =	vor.u32 v3, v4  }
0x8b: {  	v4 =	vperm.xlane v3, v0;
	_ =	sdelay $0x1  }
0x8c: {  	v4 =	vadd.s32 v1, v4;
	_ =	sdelay $0x1  }
0x8d: {  	v3 =	vperm.xlane v3, v2;
	_ =	sdelay $0x1  }
0x8e: {  	s29 =	simm.s32 $0x6400;
	v3 =	vadd.s32 v1, v3  }
0x8f: {  	[tilespmem:s29], [sflag:$0x4] =	stream.indirect_vreg.gather [hbm4b:s3+s2], $0x80, v4, vm0, $0xb8;
	[tilespmem:$0x18400] =	vst v63  }
0x90: {  	s30 =	simm.s32 $0x6C00  }
0x91: {  	[tilespmem:s30], [sflag:$0x4] =	stream.indirect_vreg.gather [hbm4b:s8+s2], $0x80, v4, vm0, $0xb8;
	[tilespmem:$0x18400] =	vst v63  }
0x92: {  	s6 =	simm.s32 $0x7400  }
0x93: {  	[tilespmem:s6], [sflag:$0x4] =	stream.indirect_vreg.gather [hbm4b:s3+s2], $0x80, v3, vm0, $0xb8;
	[tilespmem:$0x18400] =	vst v63  }
0x94: {  	s9 =	simm.s32 $0x7C00  }
0x95: {  	[tilespmem:s9], [sflag:$0x4] =	stream.indirect_vreg.gather [hbm4b:s8+s2], $0x80, v3, vm0, $0xb8;
	[tilespmem:$0x18400] =	vst v63  }
0x96: {  	s12 =	simm.s32 $0x10400;
	s10 =	rddreg [dreg:$0xa]  }
0x97: {  	[tilespmem:s12], [sflag:$0x7] =	stream.linear.gather [hbm4b:s10+s2], $0x4000, $0x38;
	[tilespmem:$0x18400] =	vst v63  }
0x98: {  	_ =	swait.ge [sflag:s11], $0x4000  }
0x99: {  	s21 =	simm.s32 $0x0;
	s22 =	simm.s32 $0x0;
	[sflag:s11] =	ssyncset.done $0x0  }
0x9a: {  	s25 =	simm.s32 $0x0;
	s6 =	sand.u32 $0x2000, s21;
	[sflag:s11] =	ssyncadd.s32 $0xFFFFC000  }
0x9b: {  	s9 =	sand.u32 $0xC00, s22;
	s10 =	sshrl.u32 s6, $0x1;
	_ =	swait.ge [sflag:s13], $0x2000  }
0x9c: {  	s12 =	sand.u32 $0x380, s25;
	s10 =	sor.u32 s9, s10;
	[sflag:s13] =	ssyncset.done $0x0  }
0x9d: {  	s10 =	sor.u32 s12, s10;
	[sflag:s13] =	ssyncadd.s32 $0xFFFFE000  }
0x9e: {  	v3 =	vld [tilespmem:s10+$0x2470]  }
0x9f: {  	v4 =	vld [tilespmem:s10+$0x2400]  }
0xa0: {  	v5 =	vld [tilespmem:s10+$0x2410]  }
0xa1: {  	s6 =	sor.u32 $0xC400, s6;
	v6 =	vld [tilespmem:s10+$0x2420]  }
0xa2: {  	s9 =	sadd.s32 s9, s6;
	v7 =	vld [tilespmem:s10+$0x2430]  }
0xa3: {  	s9 =	sor.u32 s12, s9;
	v8 =	vld [tilespmem:s10+$0x2440]  }
0xa4: {  	s21 =	sand.u32 $0xC00, s2;
	s26 =	sor.u32 $0x70, s9;
	v10 =	vld [tilespmem:s10+$0x2460];
	v9 =	vunpack.i.l.bf16.f32 v3  }
0xa5: {  	s6 =	sadd.s32 s21, s6;
	[tilespmem:s26+$0x0] =	vst.add.f32.msk $0xffff, v9  }
0xa6: {  	s21 =	sor.u32 s12, s6;
	v3 =	vunpack.i.u.bf16.f32 v3;
	v9 =	vld [tilespmem:s10+$0x2450]  }
0xa7: {  	[tilespmem:s21+$0x1070] =	vst.add.f32.msk $0xffff, v3;
	v3 =	vunpack.i.l.bf16.f32 v4  }
0xa8: {  	v4 =	vunpack.i.u.bf16.f32 v4;
	[tilespmem:s9+$0x0] =	vst.add.f32.msk $0xffff, v3  }
0xa9: {  	s28 =	sor.u32 $0x10, s9;
	v3 =	vunpack.i.l.bf16.f32 v5;
	[tilespmem:s9+$0x1000] =	vst.add.f32.msk $0xffff, v4  }
0xaa: {  	v4 =	vunpack.i.u.bf16.f32 v5;
	[tilespmem:s28+$0x0] =	vst.add.f32.msk $0xffff, v3  }
0xab: {  	s29 =	sor.u32 $0x20, s9;
	v3 =	vunpack.i.l.bf16.f32 v6;
	[tilespmem:s21+$0x1010] =	vst.add.f32.msk $0xffff, v4  }
0xac: {  	v4 =	vunpack.i.u.bf16.f32 v6;
	[tilespmem:s29+$0x0] =	vst.add.f32.msk $0xffff, v3  }
0xad: {  	s30 =	sor.u32 $0x30, s9;
	v11 =	vunpack.i.u.bf16.f32 v7;
	v6 =	vunpack.i.l.bf16.f32 v7;
	[tilespmem:s21+$0x1020] =	vst.add.f32.msk $0xffff, v4  }
0xae: {  	s25 =	simm.s32 $0x0;
	s22 =	sor.u32 $0x40, s9;
	v5 =	vunpack.i.u.bf16.f32 v8;
	v7 =	vunpack.i.l.bf16.f32 v8;
	v3 =	vunpack.i.u.bf16.f32 v9;
	[tilespmem:s30+$0x0] =	vst.add.f32.msk $0xffff, v6  }
0xaf: {  	s12 =	sor.u32 $0x50, s9;
	s10 =	simm.s32 $0x0;
	s9 =	sor.u32 $0x60, s9;
	v8 =	vunpack.i.l.bf16.f32 v9;
	v4 =	vunpack.i.u.bf16.f32 v10;
	v6 =	vunpack.i.l.bf16.f32 v10;
	[tilespmem:s21+$0x1030] =	vst.add.f32.msk $0xffff, v11  }
.LBB2_4:
0xb0: {  	s25 =	sadd.s32 $0x8, s25;
	[tilespmem:s22+$0x0] =	vst.add.f32.msk $0xffff, v7  }
0xb1: {  	s2 =	sadd.s32 $0x1000, s2;
	s6 =	sshll.u32 s25, $0x5;
	p0 =	slt.u32 s25, $0x1F8;
	[tilespmem:s21+$0x1040] =	vst.add.f32.msk $0xffff, v5  }
0xb2: {  	s22 =	sshrl.u32 s2, $0x2;
	s6 =	sand.u32 $0x2000, s6;
	[tilespmem:s12+$0x0] =	vst.add.f32.msk $0xffff, v8  }
0xb3: {  	s26 =	sshll.u32 s25, $0x2;
	s22 =	sand.u32 $0xC00, s22;
	s12 =	sshrl.u32 s6, $0x1;
	[tilespmem:s21+$0x1050] =	vst.add.f32.msk $0xffff, v3  }
0xb4: {  	s26 =	sand.u32 $0x380, s26;
	s12 =	sor.u32 s22, s12;
	[tilespmem:s9+$0x0] =	vst.add.f32.msk $0xffff, v6  }
0xb5: {  	s28 =	sor.u32 s26, s12;
	[tilespmem:s21+$0x1060] =	vst.add.f32.msk $0xffff, v4  }
0xb6: {  	v3 =	vld [tilespmem:s28+$0x2470]  }
0xb7: {  	v4 =	vld [tilespmem:s28+$0x2400]  }
0xb8: {  	s6 =	sor.u32 $0xC400, s6;
	v5 =	vld [tilespmem:s28+$0x2410]  }
0xb9: {  	s10 =	sadd.s32 $0x400, s10;
	s9 =	sadd.s32 s22, s6;
	v6 =	vld [tilespmem:s28+$0x2420]  }
0xba: {  	s29 =	sor.u32 s26, s9;
	s9 =	sand.u32 $0xC00, s10;
	v7 =	vld [tilespmem:s28+$0x2430]  }
0xbb: {  	s30 =	sor.u32 $0x10, s29;
	s6 =	sadd.s32 s9, s6;
	s9 =	sor.u32 $0x70, s29;
	v8 =	vld [tilespmem:s28+$0x2440];
	v9 =	vunpack.i.l.bf16.f32 v3  }
0xbc: {  	s21 =	sor.u32 s26, s6;
	s6 =	sor.u32 $0x20, s29;
	s26 =	sor.u32 $0x30, s29;
	v3 =	vunpack.i.u.bf16.f32 v3;
	v10 =	vunpack.i.u.bf16.f32 v4;
	v4 =	vunpack.i.l.bf16.f32 v4;
	[tilespmem:s9+$0x0] =	vst.add.f32.msk $0xffff, v9  }
0xbd: {  	s22 =	sor.u32 $0x40, s29;
	s12 =	sor.u32 $0x50, s29;
	s9 =	sor.u32 $0x60, s29;
	v9 =	vunpack.i.u.bf16.f32 v5;
	v11 =	vunpack.i.l.bf16.f32 v5;
	[tilespmem:s21+$0x1070] =	vst.add.f32.msk $0xffff, v3  }
0xbe: {  	v12 =	vunpack.i.u.bf16.f32 v6;
	v6 =	vunpack.i.l.bf16.f32 v6;
	v13 =	vld [tilespmem:s28+$0x2450]  }
0xbf: {  	v14 =	vunpack.i.u.bf16.f32 v7;
	v15 =	vunpack.i.l.bf16.f32 v7;
	v16 =	vld [tilespmem:s28+$0x2460]  }
0xc0: {  	[tilespmem:s29+$0x0] =	vst.add.f32.msk $0xffff, v4;
	v5 =	vunpack.i.u.bf16.f32 v8;
	v7 =	vunpack.i.l.bf16.f32 v8  }
0xc1: {  	[tilespmem:s29+$0x1000] =	vst.add.f32.msk $0xffff, v10  }
0xc2: {  	[tilespmem:s30+$0x0] =	vst.add.f32.msk $0xffff, v11  }
.Ltmp1:
0xc3: {  	[tilespmem:s21+$0x1010] =	vst.add.f32.msk $0xffff, v9;
	v3 =	vunpack.i.u.bf16.f32 v13;
	v8 =	vunpack.i.l.bf16.f32 v13;
	(pc) =	sbr.rel @p0 .LBB2_4-.Ltmp1, $4  }
0xc4: {  	[tilespmem:s6+$0x0] =	vst.add.f32.msk $0xffff, v6;
	v4 =	vunpack.i.u.bf16.f32 v16;
	v6 =	vunpack.i.l.bf16.f32 v16  }
0xc5: {  	[tilespmem:s21+$0x1020] =	vst.add.f32.msk $0xffff, v12  }
0xc6: {  	[tilespmem:s26+$0x0] =	vst.add.f32.msk $0xffff, v15  }
0xc7: {  	[tilespmem:s21+$0x1030] =	vst.add.f32.msk $0xffff, v14  }
0xc8: {  	[tilespmem:s22+$0x0] =	vst.add.f32.msk $0xffff, v7  }
0xc9: {  	[tilespmem:s12+$0x0] =	vst.add.f32.msk $0xffff, v8  }
0xca: {  	[tilespmem:s9+$0x0] =	vst.add.f32.msk $0xffff, v6  }
0xcb: {  	[tilespmem:s21+$0x1040] =	vst.add.f32.msk $0xffff, v5  }
0xcc: {  	[tilespmem:s21+$0x1050] =	vst.add.f32.msk $0xffff, v3  }
0xcd: {  	[tilespmem:s21+$0x1060] =	vst.add.f32.msk $0xffff, v4  }
0xce: {  	s2 =	simm.s32 $0x0;
	s6 =	simm.s32 $0xC400;
	s1 =	rddreg [dreg:$0xb]  }
0xcf: {  	[hbm4b:s1+s2] =	stream.linear.scatter [tilespmem:s6], [sflag:$0xA], $0x4000, $0x38;
	[tilespmem:$0x18400] =	vst v63  }
0xd0: {  	v3 =	vld [tilespmem:$0x40];
	_ =	sdelay $0x4  }
0xd1: {  	v4 =	vshll.u32 v3, $0x2  }
0xd2: {  	v3 =	vand.u32 $0x7, v3;
	v4 =	vand.u32 $0xFFFFFFE0, v4  }
0xd3: {  	v3 =	vor.u32 v3, v4  }
0xd4: {  	v4 =	vperm.xlane v3, v0;
	_ =	sdelay $0x1  }
0xd5: {  	v4 =	vadd.s32 v1, v4;
	_ =	sdelay $0x1  }
0xd6: {  	v3 =	vperm.xlane v3, v2;
	_ =	sdelay $0x1  }
0xd7: {  	v3 =	vadd.s32 v1, v3  }
0xd8: {  	[tilespmem:s4], [sflag:$0x1] =	stream.indirect_vreg.gather [hbm4b:s3+s2], $0x80, v4, vm0, $0xb8;
	[tilespmem:$0x18400] =	vst v63  }
0xd9: {  	_ = 	snop  }
0xda: {  	[tilespmem:s14], [sflag:$0x1] =	stream.indirect_vreg.gather [hbm4b:s8+s2], $0x80, v4, vm0, $0xb8;
	[tilespmem:$0x18400] =	vst v63  }
0xdb: {  	_ = 	snop  }
0xdc: {  	[tilespmem:s23], [sflag:$0x1] =	stream.indirect_vreg.gather [hbm4b:s3+s2], $0x80, v3, vm0, $0xb8;
	[tilespmem:$0x18400] =	vst v63  }
0xdd: {  	_ = 	snop  }
0xde: {  	[tilespmem:s24], [sflag:$0x1] =	stream.indirect_vreg.gather [hbm4b:s8+s2], $0x80, v3, vm0, $0xb8;
	[tilespmem:$0x18400] =	vst v63  }
0xdf: {  	s21 =	simm.s32 $0x14400;
	s14 =	rddreg [dreg:$0xc]  }
0xe0: {  	[tilespmem:s21], [sflag:$0x8] =	stream.linear.gather [hbm4b:s14+s2], $0x4000, $0x38;
	[tilespmem:$0x18400] =	vst v63  }
0xe1: {  	s22 =	simm.s32 $0x0;
	_ =	swait.ge [sflag:s15], $0x4000  }
0xe2: {  	s6 =	sand.u32 $0x2000, s22;
	[sflag:s15] =	ssyncset.done $0x0  }
0xe3: {  	s10 =	sshrl.u32 s6, $0x1;
	s23 =	simm.s32 $0x0;
	[sflag:s15] =	ssyncadd.s32 $0xFFFFC000  }
0xe4: {  	s9 =	sand.u32 $0xC00, s23;
	s24 =	simm.s32 $0x0;
	_ =	swait.ge [sflag:s16], $0x2000  }
0xe5: {  	s10 =	sor.u32 s9, s10;
	s12 =	sand.u32 $0x380, s24;
	[sflag:s16] =	ssyncset.done $0x0  }
0xe6: {  	s10 =	sor.u32 s12, s10;
	[sflag:s16] =	ssyncadd.s32 $0xFFFFE000  }
0xe7: {  	v3 =	vld [tilespmem:s10+$0x4470]  }
0xe8: {  	v4 =	vld [tilespmem:s10+$0x4400]  }
0xe9: {  	v5 =	vld [tilespmem:s10+$0x4410]  }
0xea: {  	s6 =	sor.u32 $0x10400, s6;
	v6 =	vld [tilespmem:s10+$0x4420]  }
0xeb: {  	s9 =	sadd.s32 s9, s6;
	v7 =	vld [tilespmem:s10+$0x4430]  }
0xec: {  	s9 =	sor.u32 s12, s9;
	v8 =	vld [tilespmem:s10+$0x4440]  }
0xed: {  	s25 =	sand.u32 $0xC00, s2;
	s26 =	sor.u32 $0x70, s9;
	v10 =	vld [tilespmem:s10+$0x4460];
	v9 =	vunpack.i.l.bf16.f32 v3  }
0xee: {  	s6 =	sadd.s32 s25, s6;
	[tilespmem:s26+$0x0] =	vst.add.f32.msk $0xffff, v9  }
0xef: {  	s21 =	sor.u32 s12, s6;
	v3 =	vunpack.i.u.bf16.f32 v3;
	v9 =	vld [tilespmem:s10+$0x4450]  }
0xf0: {  	[tilespmem:s21+$0x1070] =	vst.add.f32.msk $0xffff, v3;
	v3 =	vunpack.i.l.bf16.f32 v4  }
0xf1: {  	v4 =	vunpack.i.u.bf16.f32 v4;
	[tilespmem:s9+$0x0] =	vst.add.f32.msk $0xffff, v3  }
0xf2: {  	s28 =	sor.u32 $0x10, s9;
	v3 =	vunpack.i.l.bf16.f32 v5;
	[tilespmem:s9+$0x1000] =	vst.add.f32.msk $0xffff, v4  }
0xf3: {  	v4 =	vunpack.i.u.bf16.f32 v5;
	[tilespmem:s28+$0x0] =	vst.add.f32.msk $0xffff, v3  }
0xf4: {  	s29 =	sor.u32 $0x20, s9;
	v3 =	vunpack.i.l.bf16.f32 v6;
	[tilespmem:s21+$0x1010] =	vst.add.f32.msk $0xffff, v4  }
0xf5: {  	v4 =	vunpack.i.u.bf16.f32 v6;
	[tilespmem:s29+$0x0] =	vst.add.f32.msk $0xffff, v3  }
0xf6: {  	s30 =	sor.u32 $0x30, s9;
	v11 =	vunpack.i.u.bf16.f32 v7;
	v6 =	vunpack.i.l.bf16.f32 v7;
	[tilespmem:s21+$0x1020] =	vst.add.f32.msk $0xffff, v4  }
0xf7: {  	s25 =	simm.s32 $0x0;
	s22 =	sor.u32 $0x40, s9;
	v5 =	vunpack.i.u.bf16.f32 v8;
	v7 =	vunpack.i.l.bf16.f32 v8;
	v3 =	vunpack.i.u.bf16.f32 v9;
	[tilespmem:s30+$0x0] =	vst.add.f32.msk $0xffff, v6  }
0xf8: {  	s12 =	sor.u32 $0x50, s9;
	s10 =	simm.s32 $0x0;
	s9 =	sor.u32 $0x60, s9;
	v8 =	vunpack.i.l.bf16.f32 v9;
	v4 =	vunpack.i.u.bf16.f32 v10;
	v6 =	vunpack.i.l.bf16.f32 v10;
	[tilespmem:s21+$0x1030] =	vst.add.f32.msk $0xffff, v11  }
.LBB2_6:
0xf9: {  	s25 =	sadd.s32 $0x8, s25;
	[tilespmem:s22+$0x0] =	vst.add.f32.msk $0xffff, v7  }
0xfa: {  	s2 =	sadd.s32 $0x1000, s2;
	s6 =	sshll.u32 s25, $0x5;
	p0 =	slt.u32 s25, $0x1F8;
	[tilespmem:s21+$0x1040] =	vst.add.f32.msk $0xffff, v5  }
0xfb: {  	s22 =	sshrl.u32 s2, $0x2;
	s6 =	sand.u32 $0x2000, s6;
	[tilespmem:s12+$0x0] =	vst.add.f32.msk $0xffff, v8  }
0xfc: {  	s26 =	sshll.u32 s25, $0x2;
	s22 =	sand.u32 $0xC00, s22;
	s12 =	sshrl.u32 s6, $0x1;
	[tilespmem:s21+$0x1050] =	vst.add.f32.msk $0xffff, v3  }
0xfd: {  	s26 =	sand.u32 $0x380, s26;
	s12 =	sor.u32 s22, s12;
	[tilespmem:s9+$0x0] =	vst.add.f32.msk $0xffff, v6  }
0xfe: {  	s28 =	sor.u32 s26, s12;
	[tilespmem:s21+$0x1060] =	vst.add.f32.msk $0xffff, v4  }
0xff: {  	v3 =	vld [tilespmem:s28+$0x4470]  }
0x100: {  	v4 =	vld [tilespmem:s28+$0x4400]  }
0x101: {  	s6 =	sor.u32 $0x10400, s6;
	v5 =	vld [tilespmem:s28+$0x4410]  }
0x102: {  	s10 =	sadd.s32 $0x400, s10;
	s9 =	sadd.s32 s22, s6;
	v6 =	vld [tilespmem:s28+$0x4420]  }
0x103: {  	s29 =	sor.u32 s26, s9;
	s9 =	sand.u32 $0xC00, s10;
	v7 =	vld [tilespmem:s28+$0x4430]  }
0x104: {  	s30 =	sor.u32 $0x10, s29;
	s6 =	sadd.s32 s9, s6;
	s9 =	sor.u32 $0x70, s29;
	v8 =	vld [tilespmem:s28+$0x4440];
	v9 =	vunpack.i.l.bf16.f32 v3  }
0x105: {  	s21 =	sor.u32 s26, s6;
	s6 =	sor.u32 $0x20, s29;
	s26 =	sor.u32 $0x30, s29;
	v3 =	vunpack.i.u.bf16.f32 v3;
	v10 =	vunpack.i.u.bf16.f32 v4;
	v4 =	vunpack.i.l.bf16.f32 v4;
	[tilespmem:s9+$0x0] =	vst.add.f32.msk $0xffff, v9  }
0x106: {  	s22 =	sor.u32 $0x40, s29;
	s12 =	sor.u32 $0x50, s29;
	s9 =	sor.u32 $0x60, s29;
	v9 =	vunpack.i.u.bf16.f32 v5;
	v11 =	vunpack.i.l.bf16.f32 v5;
	[tilespmem:s21+$0x1070] =	vst.add.f32.msk $0xffff, v3  }
0x107: {  	v12 =	vunpack.i.u.bf16.f32 v6;
	v6 =	vunpack.i.l.bf16.f32 v6;
	v13 =	vld [tilespmem:s28+$0x4450]  }
0x108: {  	v14 =	vunpack.i.u.bf16.f32 v7;
	v15 =	vunpack.i.l.bf16.f32 v7;
	v16 =	vld [tilespmem:s28+$0x4460]  }
0x109: {  	[tilespmem:s29+$0x0] =	vst.add.f32.msk $0xffff, v4;
	v5 =	vunpack.i.u.bf16.f32 v8;
	v7 =	vunpack.i.l.bf16.f32 v8  }
0x10a: {  	[tilespmem:s29+$0x1000] =	vst.add.f32.msk $0xffff, v10  }
0x10b: {  	[tilespmem:s30+$0x0] =	vst.add.f32.msk $0xffff, v11  }
.Ltmp2:
0x10c: {  	[tilespmem:s21+$0x1010] =	vst.add.f32.msk $0xffff, v9;
	v3 =	vunpack.i.u.bf16.f32 v13;
	v8 =	vunpack.i.l.bf16.f32 v13;
	(pc) =	sbr.rel @p0 .LBB2_6-.Ltmp2, $4  }
0x10d: {  	[tilespmem:s6+$0x0] =	vst.add.f32.msk $0xffff, v6;
	v4 =	vunpack.i.u.bf16.f32 v16;
	v6 =	vunpack.i.l.bf16.f32 v16  }
0x10e: {  	[tilespmem:s21+$0x1020] =	vst.add.f32.msk $0xffff, v12  }
0x10f: {  	[tilespmem:s26+$0x0] =	vst.add.f32.msk $0xffff, v15  }
0x110: {  	[tilespmem:s21+$0x1030] =	vst.add.f32.msk $0xffff, v14  }
0x111: {  	[tilespmem:s22+$0x0] =	vst.add.f32.msk $0xffff, v7  }
0x112: {  	[tilespmem:s12+$0x0] =	vst.add.f32.msk $0xffff, v8  }
0x113: {  	[tilespmem:s9+$0x0] =	vst.add.f32.msk $0xffff, v6  }
0x114: {  	[tilespmem:s21+$0x1040] =	vst.add.f32.msk $0xffff, v5  }
0x115: {  	[tilespmem:s21+$0x1050] =	vst.add.f32.msk $0xffff, v3  }
0x116: {  	[tilespmem:s21+$0x1060] =	vst.add.f32.msk $0xffff, v4  }
0x117: {  	s2 =	simm.s32 $0x0;
	s4 =	simm.s32 $0x10400;
	s1 =	rddreg [dreg:$0xd]  }
0x118: {  	[hbm4b:s1+s2] =	stream.linear.scatter [tilespmem:s4], [sflag:$0xB], $0x4000, $0x38;
	[tilespmem:$0x18400] =	vst v63  }
0x119: {  	v3 =	vld [tilespmem:$0x50];
	_ =	sdelay $0x4  }
0x11a: {  	v4 =	vshll.u32 v3, $0x2  }
0x11b: {  	v3 =	vand.u32 $0x7, v3;
	v4 =	vand.u32 $0xFFFFFFE0, v4  }
0x11c: {  	v3 =	vor.u32 v3, v4  }
0x11d: {  	v4 =	vperm.xlane v3, v0;
	_ =	sdelay $0x1  }
0x11e: {  	v4 =	vadd.s32 v1, v4;
	_ =	sdelay $0x1  }
0x11f: {  	v3 =	vperm.xlane v3, v2;
	_ =	sdelay $0x1  }
0x120: {  	s9 =	simm.s32 $0x2400;
	v3 =	vadd.s32 v1, v3  }
0x121: {  	[tilespmem:s9], [sflag:$0x2] =	stream.indirect_vreg.gather [hbm4b:s3+s2], $0x80, v4, vm0, $0xb8;
	[tilespmem:$0x18400] =	vst v63  }
0x122: {  	s10 =	simm.s32 $0x2C00  }
0x123: {  	[tilespmem:s10], [sflag:$0x2] =	stream.indirect_vreg.gather [hbm4b:s8+s2], $0x80, v4, vm0, $0xb8;
	[tilespmem:$0x18400] =	vst v63  }
0x124: {  	s12 =	simm.s32 $0x3400  }
0x125: {  	[tilespmem:s12], [sflag:$0x2] =	stream.indirect_vreg.gather [hbm4b:s3+s2], $0x80, v3, vm0, $0xb8;
	[tilespmem:$0x18400] =	vst v63  }
0x126: {  	s14 =	simm.s32 $0x3C00  }
0x127: {  	[tilespmem:s14], [sflag:$0x2] =	stream.indirect_vreg.gather [hbm4b:s8+s2], $0x80, v3, vm0, $0xb8;
	[tilespmem:$0x18400] =	vst v63  }
0x128: {  	_ =	swait.ge [sflag:s17], $0x4000  }
0x129: {  	[sflag:s17] =	ssyncset.done $0x0  }
0x12a: {  	s22 =	simm.s32 $0x8400;
	s21 =	rddreg [dreg:$0xe];
	[sflag:s17] =	ssyncadd.s32 $0xFFFFC000  }
0x12b: {  	[tilespmem:s22], [sflag:$0x5] =	stream.linear.gather [hbm4b:s21+s2], $0x4000, $0x38;
	[tilespmem:$0x18400] =	vst v63  }
0x12c: {  	_ =	swait.ge [sflag:s18], $0x4000  }
0x12d: {  	s6 =	simm.s32 $0x0;
	s23 =	simm.s32 $0x0;
	[sflag:s18] =	ssyncset.done $0x0  }
0x12e: {  	s24 =	simm.s32 $0x0;
	s6 =	sand.u32 $0x2000, s6;
	[sflag:s18] =	ssyncadd.s32 $0xFFFFC000  }
0x12f: {  	s9 =	sand.u32 $0xC00, s23;
	s10 =	sshrl.u32 s6, $0x1;
	_ =	swait.ge [sflag:s19], $0x2000  }
0x130: {  	s10 =	sor.u32 s9, s10;
	s12 =	sand.u32 $0x380, s24;
	[sflag:s19] =	ssyncset.done $0x0  }
0x131: {  	s10 =	sor.u32 s12, s10;
	[sflag:s19] =	ssyncadd.s32 $0xFFFFE000  }
0x132: {  	v3 =	vld [tilespmem:s10+$0x6470]  }
0x133: {  	v4 =	vld [tilespmem:s10+$0x6400]  }
0x134: {  	v5 =	vld [tilespmem:s10+$0x6410]  }
0x135: {  	s6 =	sor.u32 $0x14400, s6;
	v6 =	vld [tilespmem:s10+$0x6420]  }
0x136: {  	s9 =	sadd.s32 s9, s6;
	v7 =	vld [tilespmem:s10+$0x6430]  }
0x137: {  	s9 =	sor.u32 s12, s9;
	v8 =	vld [tilespmem:s10+$0x6440]  }
0x138: {  	s25 =	sand.u32 $0xC00, s2;
	s26 =	sor.u32 $0x70, s9;
	v10 =	vld [tilespmem:s10+$0x6460];
	v9 =	vunpack.i.l.bf16.f32 v3  }
0x139: {  	s6 =	sadd.s32 s25, s6;
	[tilespmem:s26+$0x0] =	vst.add.f32.msk $0xffff, v9  }
0x13a: {  	s21 =	sor.u32 s12, s6;
	v3 =	vunpack.i.u.bf16.f32 v3;
	v9 =	vld [tilespmem:s10+$0x6450]  }
0x13b: {  	[tilespmem:s21+$0x1070] =	vst.add.f32.msk $0xffff, v3;
	v3 =	vunpack.i.l.bf16.f32 v4  }
0x13c: {  	v4 =	vunpack.i.u.bf16.f32 v4;
	[tilespmem:s9+$0x0] =	vst.add.f32.msk $0xffff, v3  }
0x13d: {  	s28 =	sor.u32 $0x10, s9;
	v3 =	vunpack.i.l.bf16.f32 v5;
	[tilespmem:s9+$0x1000] =	vst.add.f32.msk $0xffff, v4  }
0x13e: {  	v4 =	vunpack.i.u.bf16.f32 v5;
	[tilespmem:s28+$0x0] =	vst.add.f32.msk $0xffff, v3  }
0x13f: {  	s29 =	sor.u32 $0x20, s9;
	v3 =	vunpack.i.l.bf16.f32 v6;
	[tilespmem:s21+$0x1010] =	vst.add.f32.msk $0xffff, v4  }
0x140: {  	v4 =	vunpack.i.u.bf16.f32 v6;
	[tilespmem:s29+$0x0] =	vst.add.f32.msk $0xffff, v3  }
0x141: {  	s30 =	sor.u32 $0x30, s9;
	v11 =	vunpack.i.u.bf16.f32 v7;
	v6 =	vunpack.i.l.bf16.f32 v7;
	[tilespmem:s21+$0x1020] =	vst.add.f32.msk $0xffff, v4  }
0x142: {  	s25 =	simm.s32 $0x0;
	s22 =	sor.u32 $0x40, s9;
	v5 =	vunpack.i.u.bf16.f32 v8;
	v7 =	vunpack.i.l.bf16.f32 v8;
	v3 =	vunpack.i.u.bf16.f32 v9;
	[tilespmem:s30+$0x0] =	vst.add.f32.msk $0xffff, v6  }
0x143: {  	s12 =	sor.u32 $0x50, s9;
	s10 =	simm.s32 $0x0;
	s9 =	sor.u32 $0x60, s9;
	v8 =	vunpack.i.l.bf16.f32 v9;
	v4 =	vunpack.i.u.bf16.f32 v10;
	v6 =	vunpack.i.l.bf16.f32 v10;
	[tilespmem:s21+$0x1030] =	vst.add.f32.msk $0xffff, v11  }
.LBB2_8:
0x144: {  	s25 =	sadd.s32 $0x8, s25;
	[tilespmem:s22+$0x0] =	vst.add.f32.msk $0xffff, v7  }
0x145: {  	s2 =	sadd.s32 $0x1000, s2;
	s6 =	sshll.u32 s25, $0x5;
	p0 =	slt.u32 s25, $0x1F8;
	[tilespmem:s21+$0x1040] =	vst.add.f32.msk $0xffff, v5  }
0x146: {  	s22 =	sshrl.u32 s2, $0x2;
	s6 =	sand.u32 $0x2000, s6;
	[tilespmem:s12+$0x0] =	vst.add.f32.msk $0xffff, v8  }
0x147: {  	s26 =	sshll.u32 s25, $0x2;
	s22 =	sand.u32 $0xC00, s22;
	s12 =	sshrl.u32 s6, $0x1;
	[tilespmem:s21+$0x1050] =	vst.add.f32.msk $0xffff, v3  }
0x148: {  	s26 =	sand.u32 $0x380, s26;
	s12 =	sor.u32 s22, s12;
	[tilespmem:s9+$0x0] =	vst.add.f32.msk $0xffff, v6  }
0x149: {  	s28 =	sor.u32 s26, s12;
	[tilespmem:s21+$0x1060] =	vst.add.f32.msk $0xffff, v4  }
0x14a: {  	v3 =	vld [tilespmem:s28+$0x6470]  }
0x14b: {  	v4 =	vld [tilespmem:s28+$0x6400]  }
0x14c: {  	s6 =	sor.u32 $0x14400, s6;
	v5 =	vld [tilespmem:s28+$0x6410]  }
0x14d: {  	s10 =	sadd.s32 $0x400, s10;
	s9 =	sadd.s32 s22, s6;
	v6 =	vld [tilespmem:s28+$0x6420]  }
0x14e: {  	s29 =	sor.u32 s26, s9;
	s9 =	sand.u32 $0xC00, s10;
	v7 =	vld [tilespmem:s28+$0x6430]  }
0x14f: {  	s30 =	sor.u32 $0x10, s29;
	s6 =	sadd.s32 s9, s6;
	s9 =	sor.u32 $0x70, s29;
	v8 =	vld [tilespmem:s28+$0x6440];
	v9 =	vunpack.i.l.bf16.f32 v3  }
0x150: {  	s21 =	sor.u32 s26, s6;
	s6 =	sor.u32 $0x20, s29;
	s26 =	sor.u32 $0x30, s29;
	v3 =	vunpack.i.u.bf16.f32 v3;
	v10 =	vunpack.i.u.bf16.f32 v4;
	v4 =	vunpack.i.l.bf16.f32 v4;
	[tilespmem:s9+$0x0] =	vst.add.f32.msk $0xffff, v9  }
0x151: {  	s22 =	sor.u32 $0x40, s29;
	s12 =	sor.u32 $0x50, s29;
	s9 =	sor.u32 $0x60, s29;
	v9 =	vunpack.i.u.bf16.f32 v5;
	v11 =	vunpack.i.l.bf16.f32 v5;
	[tilespmem:s21+$0x1070] =	vst.add.f32.msk $0xffff, v3  }
0x152: {  	v12 =	vunpack.i.u.bf16.f32 v6;
	v6 =	vunpack.i.l.bf16.f32 v6;
	v13 =	vld [tilespmem:s28+$0x6450]  }
0x153: {  	v14 =	vunpack.i.u.bf16.f32 v7;
	v15 =	vunpack.i.l.bf16.f32 v7;
	v16 =	vld [tilespmem:s28+$0x6460]  }
0x154: {  	[tilespmem:s29+$0x0] =	vst.add.f32.msk $0xffff, v4;
	v5 =	vunpack.i.u.bf16.f32 v8;
	v7 =	vunpack.i.l.bf16.f32 v8  }
0x155: {  	[tilespmem:s29+$0x1000] =	vst.add.f32.msk $0xffff, v10  }
0x156: {  	[tilespmem:s30+$0x0] =	vst.add.f32.msk $0xffff, v11  }
.Ltmp3:
0x157: {  	[tilespmem:s21+$0x1010] =	vst.add.f32.msk $0xffff, v9;
	v3 =	vunpack.i.u.bf16.f32 v13;
	v8 =	vunpack.i.l.bf16.f32 v13;
	(pc) =	sbr.rel @p0 .LBB2_8-.Ltmp3, $4  }
0x158: {  	[tilespmem:s6+$0x0] =	vst.add.f32.msk $0xffff, v6;
	v4 =	vunpack.i.u.bf16.f32 v16;
	v6 =	vunpack.i.l.bf16.f32 v16  }
0x159: {  	[tilespmem:s21+$0x1020] =	vst.add.f32.msk $0xffff, v12  }
0x15a: {  	[tilespmem:s26+$0x0] =	vst.add.f32.msk $0xffff, v15  }
0x15b: {  	[tilespmem:s21+$0x1030] =	vst.add.f32.msk $0xffff, v14  }
0x15c: {  	[tilespmem:s22+$0x0] =	vst.add.f32.msk $0xffff, v7  }
0x15d: {  	[tilespmem:s12+$0x0] =	vst.add.f32.msk $0xffff, v8  }
0x15e: {  	[tilespmem:s9+$0x0] =	vst.add.f32.msk $0xffff, v6  }
0x15f: {  	[tilespmem:s21+$0x1040] =	vst.add.f32.msk $0xffff, v5  }
0x160: {  	[tilespmem:s21+$0x1050] =	vst.add.f32.msk $0xffff, v3  }
0x161: {  	[tilespmem:s21+$0x1060] =	vst.add.f32.msk $0xffff, v4  }
0x162: {  	s2 =	simm.s32 $0x14400;
	s1 =	rddreg [dreg:$0xf]  }
0x163: {  	[hbm4b:s1+s5] =	stream.linear.scatter [tilespmem:s2], [sflag:$0xC], $0x4000, $0x38;
	[tilespmem:$0x18400] =	vst v63  }
0x164: {  	s2 =	simm.s32 $0x1  }
.LBB2_10:
0x165: {  	_ =	swait.ge [sflag:s20], $0x4000  }
0x166: {  	s26 =	sshll.u32 s2, $0xD;
	s25 =	sshll.u32 s2, $0x2;
	[sflag:s20] =	ssyncset.done $0x0  }
0x167: {  	s29 =	simm.s32 $0x0;
	s1 =	rddreg [dreg:$0x7];
	[sflag:s20] =	ssyncadd.s32 $0xFFFFC000  }
0x168: {  	s28 =	sor.u32 $0x2, s25;
	s21 =	sadd.s32 s1, s26;
	s6 =	rddreg [dreg:$0x0]  }
0x169: {  	s9 =	simm.s32 $0xC400;
	s10 =	sshll.u32 s28, $0x4;
	s6 =	sadd.s32 s6, s21  }
0x16a: {  	[tilespmem:s9], [sflag:$0x6] =	stream.linear.gather [hbm4b:s6+s29], $0x4000, $0x38;
	[tilespmem:$0x18400] =	vst v63  }
0x16b: {  	s6 =	sand.u32 $0x3FFFFFE0, s10  }
0x16c: {  	v3 =	vld [tilespmem:s6+$0x0];
	_ =	sdelay $0x4  }
0x16d: {  	v4 =	vshll.u32 v3, $0x2  }
0x16e: {  	v3 =	vand.u32 $0x7, v3;
	v4 =	vand.u32 $0xFFFFFFE0, v4  }
0x16f: {  	v3 =	vor.u32 v3, v4  }
0x170: {  	v4 =	vperm.xlane v3, v0;
	_ =	sdelay $0x1  }
0x171: {  	v4 =	vadd.s32 v1, v4;
	_ =	sdelay $0x1  }
0x172: {  	v3 =	vperm.xlane v3, v2;
	_ =	sdelay $0x1  }
0x173: {  	s12 =	simm.s32 $0x4400;
	v3 =	vadd.s32 v1, v3  }
0x174: {  	[tilespmem:s12], [sflag:$0x3] =	stream.indirect_vreg.gather [hbm4b:s3+s29], $0x80, v4, vm0, $0xb8;
	[tilespmem:$0x18400] =	vst v63  }
0x175: {  	s14 =	simm.s32 $0x4C00  }
0x176: {  	[tilespmem:s14], [sflag:$0x3] =	stream.indirect_vreg.gather [hbm4b:s8+s29], $0x80, v4, vm0, $0xb8;
	[tilespmem:$0x18400] =	vst v63  }
0x177: {  	s22 =	simm.s32 $0x5400  }
0x178: {  	[tilespmem:s22], [sflag:$0x3] =	stream.indirect_vreg.gather [hbm4b:s3+s29], $0x80, v3, vm0, $0xb8;
	[tilespmem:$0x18400] =	vst v63  }
0x179: {  	s23 =	simm.s32 $0x5C00;
	s24 =	simm.s32 $0x5  }
0x17a: {  	[tilespmem:s23], [sflag:$0x3] =	stream.indirect_vreg.gather [hbm4b:s8+s29], $0x80, v3, vm0, $0xb8;
	[tilespmem:$0x18400] =	vst v63  }
0x17b: {  	s4 =	simm.s32 $0x1;
	_ =	swait.ge [sflag:s24], $0x4000  }
0x17c: {  	s1 =	simm.s32 $0x0;
	s9 =	simm.s32 $0x0;
	[sflag:s24] =	ssyncset.done $0x0  }
0x17d: {  	s6 =	sand.u32 $0x2000, s1;
	s9 =	sand.u32 $0xC00, s9;
	[sflag:s24] =	ssyncadd.s32 $0xFFFFC000  }
0x17e: {  	s10 =	sshrl.u32 s6, $0x1;
	s12 =	simm.s32 $0x0;
	_ =	swait.ge [sflag:s4], $0x2000  }
0x17f: {  	s10 =	sor.u32 s9, s10;
	s12 =	sand.u32 $0x380, s12;
	[sflag:s4] =	ssyncset.done $0x0  }
0x180: {  	s10 =	sor.u32 s12, s10;
	[sflag:s4] =	ssyncadd.s32 $0xFFFFE000  }
0x181: {  	v3 =	vld [tilespmem:s10+$0x470]  }
0x182: {  	v4 =	vld [tilespmem:s10+$0x400]  }
0x183: {  	v5 =	vld [tilespmem:s10+$0x410]  }
0x184: {  	s6 =	sor.u32 $0x8400, s6;
	v6 =	vld [tilespmem:s10+$0x420]  }
0x185: {  	s9 =	sadd.s32 s9, s6;
	v7 =	vld [tilespmem:s10+$0x430]  }
0x186: {  	s9 =	sor.u32 s12, s9;
	v8 =	vld [tilespmem:s10+$0x440]  }
0x187: {  	s14 =	sor.u32 $0x70, s9;
	s22 =	sand.u32 $0xC00, s29;
	v10 =	vld [tilespmem:s10+$0x460];
	v9 =	vunpack.i.l.bf16.f32 v3  }
0x188: {  	s6 =	sadd.s32 s22, s6;
	[tilespmem:s14+$0x0] =	vst.add.f32.msk $0xffff, v9  }
0x189: {  	s30 =	sor.u32 s12, s6;
	v3 =	vunpack.i.u.bf16.f32 v3;
	v9 =	vld [tilespmem:s10+$0x450]  }
0x18a: {  	[tilespmem:s30+$0x1070] =	vst.add.f32.msk $0xffff, v3;
	v3 =	vunpack.i.l.bf16.f32 v4  }
0x18b: {  	v4 =	vunpack.i.u.bf16.f32 v4;
	[tilespmem:s9+$0x0] =	vst.add.f32.msk $0xffff, v3  }
0x18c: {  	s22 =	sor.u32 $0x10, s9;
	v3 =	vunpack.i.l.bf16.f32 v5;
	[tilespmem:s9+$0x1000] =	vst.add.f32.msk $0xffff, v4  }
0x18d: {  	v4 =	vunpack.i.u.bf16.f32 v5;
	[tilespmem:s22+$0x0] =	vst.add.f32.msk $0xffff, v3  }
0x18e: {  	s23 =	sor.u32 $0x20, s9;
	v3 =	vunpack.i.l.bf16.f32 v6;
	[tilespmem:s30+$0x1010] =	vst.add.f32.msk $0xffff, v4  }
0x18f: {  	v4 =	vunpack.i.u.bf16.f32 v6;
	[tilespmem:s23+$0x0] =	vst.add.f32.msk $0xffff, v3  }
0x190: {  	s24 =	sor.u32 $0x30, s9;
	v11 =	vunpack.i.u.bf16.f32 v7;
	v6 =	vunpack.i.l.bf16.f32 v7;
	[tilespmem:s30+$0x1020] =	vst.add.f32.msk $0xffff, v4  }
0x191: {  	s6 =	sor.u32 $0x40, s9;
	s12 =	sor.u32 $0x60, s9;
	v5 =	vunpack.i.u.bf16.f32 v8;
	v7 =	vunpack.i.l.bf16.f32 v8;
	v3 =	vunpack.i.u.bf16.f32 v9;
	[tilespmem:s24+$0x0] =	vst.add.f32.msk $0xffff, v6  }
0x192: {  	s10 =	simm.s32 $0x0;
	s22 =	sor.u32 $0x50, s9;
	s9 =	simm.s32 $0x0;
	v8 =	vunpack.i.l.bf16.f32 v9;
	v4 =	vunpack.i.u.bf16.f32 v10;
	v6 =	vunpack.i.l.bf16.f32 v10;
	[tilespmem:s30+$0x1030] =	vst.add.f32.msk $0xffff, v11  }
.LBB2_11:
0x193: {  	s10 =	sadd.s32 $0x8, s10;
	[tilespmem:s6+$0x0] =	vst.add.f32.msk $0xffff, v7  }
0x194: {  	s29 =	sadd.s32 $0x1000, s29;
	s6 =	sshll.u32 s10, $0x5;
	p0 =	slt.u32 s10, $0x1F8;
	[tilespmem:s30+$0x1040] =	vst.add.f32.msk $0xffff, v5  }
0x195: {  	s14 =	sshrl.u32 s29, $0x2;
	s6 =	sand.u32 $0x2000, s6;
	[tilespmem:s22+$0x0] =	vst.add.f32.msk $0xffff, v8  }
0x196: {  	s1 =	sshll.u32 s10, $0x2;
	s14 =	sand.u32 $0xC00, s14;
	s22 =	sshrl.u32 s6, $0x1;
	[tilespmem:s30+$0x1050] =	vst.add.f32.msk $0xffff, v3  }
0x197: {  	s1 =	sand.u32 $0x380, s1;
	s22 =	sor.u32 s14, s22;
	[tilespmem:s12+$0x0] =	vst.add.f32.msk $0xffff, v6  }
0x198: {  	s4 =	sor.u32 s1, s22;
	[tilespmem:s30+$0x1060] =	vst.add.f32.msk $0xffff, v4  }
0x199: {  	v3 =	vld [tilespmem:s4+$0x470]  }
0x19a: {  	v4 =	vld [tilespmem:s4+$0x400]  }
0x19b: {  	s6 =	sor.u32 $0x8400, s6;
	v5 =	vld [tilespmem:s4+$0x410]  }
0x19c: {  	s9 =	sadd.s32 $0x400, s9;
	s12 =	sadd.s32 s14, s6;
	v6 =	vld [tilespmem:s4+$0x420]  }
0x19d: {  	s14 =	sor.u32 s1, s12;
	s12 =	sand.u32 $0xC00, s9;
	v7 =	vld [tilespmem:s4+$0x430]  }
0x19e: {  	s23 =	sor.u32 $0x10, s14;
	s6 =	sadd.s32 s12, s6;
	s12 =	sor.u32 $0x70, s14;
	v8 =	vld [tilespmem:s4+$0x440];
	v9 =	vunpack.i.l.bf16.f32 v3  }
0x19f: {  	s24 =	sor.u32 $0x30, s14;
	s30 =	sor.u32 s1, s6;
	s1 =	sor.u32 $0x20, s14;
	v3 =	vunpack.i.u.bf16.f32 v3;
	v10 =	vunpack.i.u.bf16.f32 v4;
	v4 =	vunpack.i.l.bf16.f32 v4;
	[tilespmem:s12+$0x0] =	vst.add.f32.msk $0xffff, v9  }
0x1a0: {  	s22 =	sor.u32 $0x50, s14;
	s6 =	sor.u32 $0x40, s14;
	s12 =	sor.u32 $0x60, s14;
	v9 =	vunpack.i.u.bf16.f32 v5;
	v11 =	vunpack.i.l.bf16.f32 v5;
	[tilespmem:s30+$0x1070] =	vst.add.f32.msk $0xffff, v3  }
0x1a1: {  	v12 =	vunpack.i.u.bf16.f32 v6;
	v6 =	vunpack.i.l.bf16.f32 v6;
	v13 =	vld [tilespmem:s4+$0x450]  }
0x1a2: {  	v14 =	vunpack.i.u.bf16.f32 v7;
	v15 =	vunpack.i.l.bf16.f32 v7;
	v16 =	vld [tilespmem:s4+$0x460]  }
0x1a3: {  	[tilespmem:s14+$0x0] =	vst.add.f32.msk $0xffff, v4;
	v5 =	vunpack.i.u.bf16.f32 v8;
	v7 =	vunpack.i.l.bf16.f32 v8  }
0x1a4: {  	[tilespmem:s14+$0x1000] =	vst.add.f32.msk $0xffff, v10  }
0x1a5: {  	[tilespmem:s23+$0x0] =	vst.add.f32.msk $0xffff, v11  }
.Ltmp4:
0x1a6: {  	[tilespmem:s30+$0x1010] =	vst.add.f32.msk $0xffff, v9;
	v3 =	vunpack.i.u.bf16.f32 v13;
	v8 =	vunpack.i.l.bf16.f32 v13;
	(pc) =	sbr.rel @p0 .LBB2_11-.Ltmp4, $4  }
0x1a7: {  	[tilespmem:s1+$0x0] =	vst.add.f32.msk $0xffff, v6;
	v4 =	vunpack.i.u.bf16.f32 v16;
	v6 =	vunpack.i.l.bf16.f32 v16  }
0x1a8: {  	[tilespmem:s30+$0x1020] =	vst.add.f32.msk $0xffff, v12  }
0x1a9: {  	[tilespmem:s24+$0x0] =	vst.add.f32.msk $0xffff, v15  }
0x1aa: {  	[tilespmem:s30+$0x1030] =	vst.add.f32.msk $0xffff, v14  }
0x1ab: {  	[tilespmem:s6+$0x0] =	vst.add.f32.msk $0xffff, v7  }
0x1ac: {  	[tilespmem:s22+$0x0] =	vst.add.f32.msk $0xffff, v8  }
0x1ad: {  	[tilespmem:s12+$0x0] =	vst.add.f32.msk $0xffff, v6  }
0x1ae: {  	[tilespmem:s30+$0x1040] =	vst.add.f32.msk $0xffff, v5  }
0x1af: {  	[tilespmem:s30+$0x1050] =	vst.add.f32.msk $0xffff, v3  }
0x1b0: {  	[tilespmem:s30+$0x1060] =	vst.add.f32.msk $0xffff, v4  }
0x1b1: {  	s1 =	rddreg [dreg:$0x9]  }
0x1b2: {  	s29 =	simm.s32 $0x0;
	s4 =	simm.s32 $0x8400;
	s1 =	sadd.s32 s26, s1  }
0x1b3: {  	[hbm4b:s1+s29] =	stream.linear.scatter [tilespmem:s4], [sflag:$0x9], $0x4000, $0x38;
	[tilespmem:$0x18400] =	vst v63  }
0x1b4: {  	_ =	swait.ge [sflag:s31], $0x4000  }
0x1b5: {  	[sflag:s31] =	ssyncset.done $0x0  }
0x1b6: {  	s10 =	sshll.u32 s28, $0xB;
	[sflag:s31] =	ssyncadd.s32 $0xFFFFC000  }
0x1b7: {  	s28 =	sor.u32 $0x3, s25;
	s26 =	sadd.s32 s7, s10;
	s12 =	rddreg [dreg:$0x0]  }
0x1b8: {  	s14 =	simm.s32 $0x10400;
	s22 =	sshll.u32 s28, $0x4;
	s1 =	sadd.s32 s12, s26  }
0x1b9: {  	[tilespmem:s14], [sflag:$0x7] =	stream.linear.gather [hbm4b:s1+s29], $0x4000, $0x38;
	[tilespmem:$0x18400] =	vst v63  }
0x1ba: {  	s1 =	sand.u32 $0x3FFFFFF0, s22  }
0x1bb: {  	v3 =	vld [tilespmem:s1+$0x0];
	_ =	sdelay $0x4  }
0x1bc: {  	v4 =	vshll.u32 v3, $0x2  }
0x1bd: {  	v3 =	vand.u32 $0x7, v3;
	v4 =	vand.u32 $0xFFFFFFE0, v4  }
0x1be: {  	v3 =	vor.u32 v3, v4  }
0x1bf: {  	v4 =	vperm.xlane v3, v0;
	_ =	sdelay $0x1  }
0x1c0: {  	v4 =	vadd.s32 v1, v4;
	_ =	sdelay $0x1  }
0x1c1: {  	v3 =	vperm.xlane v3, v2;
	_ =	sdelay $0x1  }
0x1c2: {  	s23 =	simm.s32 $0x6400;
	v3 =	vadd.s32 v1, v3  }
0x1c3: {  	[tilespmem:s23], [sflag:$0x4] =	stream.indirect_vreg.gather [hbm4b:s3+s29], $0x80, v4, vm0, $0xb8;
	[tilespmem:$0x18400] =	vst v63  }
0x1c4: {  	s24 =	simm.s32 $0x6C00  }
0x1c5: {  	[tilespmem:s24], [sflag:$0x4] =	stream.indirect_vreg.gather [hbm4b:s8+s29], $0x80, v4, vm0, $0xb8;
	[tilespmem:$0x18400] =	vst v63  }
0x1c6: {  	s4 =	simm.s32 $0x7400  }
0x1c7: {  	[tilespmem:s4], [sflag:$0x4] =	stream.indirect_vreg.gather [hbm4b:s3+s29], $0x80, v3, vm0, $0xb8;
	[tilespmem:$0x18400] =	vst v63  }
0x1c8: {  	s6 =	simm.s32 $0x7C00  }
0x1c9: {  	[tilespmem:s6], [sflag:$0x4] =	stream.indirect_vreg.gather [hbm4b:s8+s29], $0x80, v3, vm0, $0xb8;
	[tilespmem:$0x18400] =	vst v63  }
0x1ca: {  	_ =	swait.ge [sflag:s11], $0x4000  }
0x1cb: {  	s9 =	simm.s32 $0x0;
	s10 =	simm.s32 $0x0;
	[sflag:s11] =	ssyncset.done $0x0  }
0x1cc: {  	s1 =	sand.u32 $0x2000, s9;
	s9 =	simm.s32 $0x0;
	[sflag:s11] =	ssyncadd.s32 $0xFFFFC000  }
0x1cd: {  	s12 =	sshrl.u32 s1, $0x1;
	s4 =	sand.u32 $0xC00, s10;
	_ =	swait.ge [sflag:s13], $0x2000  }
0x1ce: {  	s9 =	sand.u32 $0x380, s9;
	s6 =	sor.u32 s4, s12;
	[sflag:s13] =	ssyncset.done $0x0  }
0x1cf: {  	s6 =	sor.u32 s9, s6;
	[sflag:s13] =	ssyncadd.s32 $0xFFFFE000  }
0x1d0: {  	v3 =	vld [tilespmem:s6+$0x2470]  }
0x1d1: {  	v4 =	vld [tilespmem:s6+$0x2400]  }
0x1d2: {  	v5 =	vld [tilespmem:s6+$0x2410]  }
0x1d3: {  	s1 =	sor.u32 $0xC400, s1;
	v6 =	vld [tilespmem:s6+$0x2420]  }
0x1d4: {  	s4 =	sadd.s32 s4, s1;
	v7 =	vld [tilespmem:s6+$0x2430]  }
0x1d5: {  	s4 =	sor.u32 s9, s4;
	v8 =	vld [tilespmem:s6+$0x2440]  }
0x1d6: {  	s10 =	sand.u32 $0xC00, s29;
	s14 =	sor.u32 $0x70, s4;
	v10 =	vld [tilespmem:s6+$0x2460];
	v9 =	vunpack.i.l.bf16.f32 v3  }
0x1d7: {  	s1 =	sadd.s32 s10, s1;
	[tilespmem:s14+$0x0] =	vst.add.f32.msk $0xffff, v9  }
0x1d8: {  	s30 =	sor.u32 s9, s1;
	v3 =	vunpack.i.u.bf16.f32 v3;
	v9 =	vld [tilespmem:s6+$0x2450]  }
0x1d9: {  	[tilespmem:s30+$0x1070] =	vst.add.f32.msk $0xffff, v3;
	v3 =	vunpack.i.l.bf16.f32 v4  }
0x1da: {  	v4 =	vunpack.i.u.bf16.f32 v4;
	[tilespmem:s4+$0x0] =	vst.add.f32.msk $0xffff, v3  }
0x1db: {  	s22 =	sor.u32 $0x10, s4;
	v3 =	vunpack.i.l.bf16.f32 v5;
	[tilespmem:s4+$0x1000] =	vst.add.f32.msk $0xffff, v4  }
0x1dc: {  	v4 =	vunpack.i.u.bf16.f32 v5;
	[tilespmem:s22+$0x0] =	vst.add.f32.msk $0xffff, v3  }
0x1dd: {  	s23 =	sor.u32 $0x20, s4;
	v3 =	vunpack.i.l.bf16.f32 v6;
	[tilespmem:s30+$0x1010] =	vst.add.f32.msk $0xffff, v4  }
0x1de: {  	v4 =	vunpack.i.u.bf16.f32 v6;
	[tilespmem:s23+$0x0] =	vst.add.f32.msk $0xffff, v3  }
0x1df: {  	s24 =	sor.u32 $0x30, s4;
	v11 =	vunpack.i.u.bf16.f32 v7;
	v6 =	vunpack.i.l.bf16.f32 v7;
	[tilespmem:s30+$0x1020] =	vst.add.f32.msk $0xffff, v4  }
0x1e0: {  	s10 =	simm.s32 $0x0;
	s9 =	simm.s32 $0x0;
	v5 =	vunpack.i.u.bf16.f32 v8;
	v7 =	vunpack.i.l.bf16.f32 v8;
	v3 =	vunpack.i.u.bf16.f32 v9;
	[tilespmem:s24+$0x0] =	vst.add.f32.msk $0xffff, v6  }
0x1e1: {  	s12 =	sor.u32 $0x60, s4;
	s6 =	sor.u32 $0x40, s4;
	s22 =	sor.u32 $0x50, s4;
	v8 =	vunpack.i.l.bf16.f32 v9;
	v4 =	vunpack.i.u.bf16.f32 v10;
	v6 =	vunpack.i.l.bf16.f32 v10;
	[tilespmem:s30+$0x1030] =	vst.add.f32.msk $0xffff, v11  }
.LBB2_13:
0x1e2: {  	s10 =	sadd.s32 $0x8, s10;
	[tilespmem:s6+$0x0] =	vst.add.f32.msk $0xffff, v7  }
0x1e3: {  	s29 =	sadd.s32 $0x1000, s29;
	s1 =	sshll.u32 s10, $0x5;
	p0 =	slt.u32 s10, $0x1F8;
	[tilespmem:s30+$0x1040] =	vst.add.f32.msk $0xffff, v5  }
0x1e4: {  	s4 =	sshrl.u32 s29, $0x2;
	s1 =	sand.u32 $0x2000, s1;
	[tilespmem:s22+$0x0] =	vst.add.f32.msk $0xffff, v8  }
0x1e5: {  	s14 =	sshll.u32 s10, $0x2;
	s4 =	sand.u32 $0xC00, s4;
	s6 =	sshrl.u32 s1, $0x1;
	[tilespmem:s30+$0x1050] =	vst.add.f32.msk $0xffff, v3  }
0x1e6: {  	s14 =	sand.u32 $0x380, s14;
	s6 =	sor.u32 s4, s6;
	[tilespmem:s12+$0x0] =	vst.add.f32.msk $0xffff, v6  }
0x1e7: {  	s23 =	sor.u32 s14, s6;
	[tilespmem:s30+$0x1060] =	vst.add.f32.msk $0xffff, v4  }
0x1e8: {  	v3 =	vld [tilespmem:s23+$0x2470]  }
0x1e9: {  	v4 =	vld [tilespmem:s23+$0x2400]  }
0x1ea: {  	s1 =	sor.u32 $0xC400, s1;
	v5 =	vld [tilespmem:s23+$0x2410]  }
0x1eb: {  	s9 =	sadd.s32 $0x400, s9;
	s4 =	sadd.s32 s4, s1;
	v6 =	vld [tilespmem:s23+$0x2420]  }
0x1ec: {  	s4 =	sor.u32 s14, s4;
	s6 =	sand.u32 $0xC00, s9;
	v7 =	vld [tilespmem:s23+$0x2430]  }
0x1ed: {  	s24 =	sor.u32 $0x10, s4;
	s1 =	sadd.s32 s6, s1;
	s6 =	sor.u32 $0x70, s4;
	v8 =	vld [tilespmem:s23+$0x2440];
	v9 =	vunpack.i.l.bf16.f32 v3  }
0x1ee: {  	s30 =	sor.u32 s14, s1;
	s1 =	sor.u32 $0x20, s4;
	s14 =	sor.u32 $0x30, s4;
	v3 =	vunpack.i.u.bf16.f32 v3;
	v10 =	vunpack.i.u.bf16.f32 v4;
	v4 =	vunpack.i.l.bf16.f32 v4;
	[tilespmem:s6+$0x0] =	vst.add.f32.msk $0xffff, v9  }
0x1ef: {  	s22 =	sor.u32 $0x50, s4;
	s12 =	sor.u32 $0x60, s4;
	s6 =	sor.u32 $0x40, s4;
	v9 =	vunpack.i.u.bf16.f32 v5;
	v11 =	vunpack.i.l.bf16.f32 v5;
	[tilespmem:s30+$0x1070] =	vst.add.f32.msk $0xffff, v3  }
0x1f0: {  	v12 =	vunpack.i.u.bf16.f32 v6;
	v6 =	vunpack.i.l.bf16.f32 v6;
	v13 =	vld [tilespmem:s23+$0x2450]  }
0x1f1: {  	v14 =	vunpack.i.u.bf16.f32 v7;
	v15 =	vunpack.i.l.bf16.f32 v7;
	v16 =	vld [tilespmem:s23+$0x2460]  }
0x1f2: {  	[tilespmem:s4+$0x0] =	vst.add.f32.msk $0xffff, v4;
	v5 =	vunpack.i.u.bf16.f32 v8;
	v7 =	vunpack.i.l.bf16.f32 v8  }
0x1f3: {  	[tilespmem:s4+$0x1000] =	vst.add.f32.msk $0xffff, v10  }
0x1f4: {  	[tilespmem:s24+$0x0] =	vst.add.f32.msk $0xffff, v11  }
.Ltmp5:
0x1f5: {  	[tilespmem:s30+$0x1010] =	vst.add.f32.msk $0xffff, v9;
	v3 =	vunpack.i.u.bf16.f32 v13;
	v8 =	vunpack.i.l.bf16.f32 v13;
	(pc) =	sbr.rel @p0 .LBB2_13-.Ltmp5, $4  }
0x1f6: {  	[tilespmem:s1+$0x0] =	vst.add.f32.msk $0xffff, v6;
	v4 =	vunpack.i.u.bf16.f32 v16;
	v6 =	vunpack.i.l.bf16.f32 v16  }
0x1f7: {  	[tilespmem:s30+$0x1020] =	vst.add.f32.msk $0xffff, v12  }
0x1f8: {  	[tilespmem:s14+$0x0] =	vst.add.f32.msk $0xffff, v15  }
0x1f9: {  	[tilespmem:s30+$0x1030] =	vst.add.f32.msk $0xffff, v14  }
0x1fa: {  	[tilespmem:s6+$0x0] =	vst.add.f32.msk $0xffff, v7  }
0x1fb: {  	[tilespmem:s22+$0x0] =	vst.add.f32.msk $0xffff, v8  }
0x1fc: {  	[tilespmem:s12+$0x0] =	vst.add.f32.msk $0xffff, v6  }
0x1fd: {  	[tilespmem:s30+$0x1040] =	vst.add.f32.msk $0xffff, v5  }
0x1fe: {  	[tilespmem:s30+$0x1050] =	vst.add.f32.msk $0xffff, v3  }
0x1ff: {  	[tilespmem:s30+$0x1060] =	vst.add.f32.msk $0xffff, v4;
	s30 =	rddreg [dreg:$0x3]  }
0x200: {  	s4 =	simm.s32 $0xC400;
	s1 =	sadd.s32 s30, s21  }
0x201: {  	[hbm4b:s1+s5] =	stream.linear.scatter [tilespmem:s4], [sflag:$0xA], $0x4000, $0x38;
	[tilespmem:$0x18400] =	vst v63  }
0x202: {  	_ =	swait.ge [sflag:s0], $0x4000  }
0x203: {  	[sflag:s0] =	ssyncset.done $0x0  }
0x204: {  	s24 =	sshll.u32 s28, $0xB;
	[sflag:s0] =	ssyncadd.s32 $0xFFFFC000  }
0x205: {  	s6 =	simm.s32 $0x14400;
	s21 =	sadd.s32 s7, s24;
	s4 =	rddreg [dreg:$0x0]  }
0x206: {  	s25 =	sadd.s32 $0x4, s25;
	p0 =	seq.s32 s2, $0xF;
	s1 =	sadd.s32 s4, s21  }
0x207: {  	[tilespmem:s6], [sflag:$0x8] =	stream.linear.gather [hbm4b:s1+s5], $0x4000, $0x38;
	[tilespmem:$0x18400] =	vst v63  }
0x208: {  	s1 =	sshll.u32 @!p0 s25, $0x4  }
0x209: {  	s1 =	sand.u32 @!p0 $0x3FFFFFF0, s1  }
0x20a: {  	v3 =	vld @!p0 [tilespmem:s1+$0x0];
	_ =	sdelay $0x4  }
0x20b: {  	v4 =	vshll.u32 @!p0 v3, $0x2  }
0x20c: {  	v5 =	vlaneseq.u32 @!p0;
	v3 =	vand.u32 @!p0 $0x7, v3;
	v4 =	vand.u32 @!p0 $0xFFFFFFE0, v4  }
0x20d: {  	v6 =	vshrl.u32 @!p0 v5, $0x3;
	v3 =	vor.u32 @!p0 v3, v4;
	v4 =	vand.u32 @!p0 $0x7, v5  }
0x20e: {  	v6 =	vmul.u32 @!p0 $0x8, v6;
	v4 =	vperm.xlane @!p0 v3, v4;
	_ =	sdelay $0x1  }
0x20f: {  	v4 =	vadd.s32 @!p0 v6, v4  }
0x210: {  	v5 =	vor.u32 @!p0 $0x8, v5  }
0x211: {  	v3 =	vperm.xlane @!p0 v3, v5;
	_ =	sdelay $0x1  }
0x212: {  	vm1 =	vmmov @!p0 $0xffff;
	s4 =	simm.s32 @!p0 $0x400;
	s1 =	simm.s32 @!p0 $0x0;
	v3 =	vadd.s32 @!p0 v6, v3  }
0x213: {  	[tilespmem:s4], [sflag:$0x1] =	stream.indirect_vreg.gather @!p0 [hbm4b:s3+s1], $0x80, v4, vm1, $0xb8;
	[tilespmem:$0x18400] =	vst v63  }
0x214: {  	s4 =	simm.s32 @!p0 $0xC00  }
0x215: {  	[tilespmem:s4], [sflag:$0x1] =	stream.indirect_vreg.gather @!p0 [hbm4b:s8+s1], $0x80, v4, vm1, $0xb8;
	[tilespmem:$0x18400] =	vst v63  }
0x216: {  	s4 =	simm.s32 @!p0 $0x1400  }
0x217: {  	[tilespmem:s4], [sflag:$0x1] =	stream.indirect_vreg.gather @!p0 [hbm4b:s3+s1], $0x80, v3, vm1, $0xb8;
	[tilespmem:$0x18400] =	vst v63  }
0x218: {  	s4 =	simm.s32 @!p0 $0x1C00  }
0x219: {  	[tilespmem:s4], [sflag:$0x1] =	stream.indirect_vreg.gather @!p0 [hbm4b:s8+s1], $0x80, v3, vm1, $0xb8;
	[tilespmem:$0x18400] =	vst v63  }
0x21a: {  	_ =	swait.ge [sflag:s15], $0x4000  }
0x21b: {  	s9 =	simm.s32 $0x0;
	s10 =	simm.s32 $0x0;
	[sflag:s15] =	ssyncset.done $0x0  }
0x21c: {  	s1 =	sand.u32 $0x2000, s9;
	s4 =	sand.u32 $0xC00, s10;
	[sflag:s15] =	ssyncadd.s32 $0xFFFFC000  }
0x21d: {  	s9 =	simm.s32 $0x0;
	s12 =	sshrl.u32 s1, $0x1;
	_ =	swait.ge [sflag:s16], $0x2000  }
0x21e: {  	s9 =	sand.u32 $0x380, s9;
	s6 =	sor.u32 s4, s12;
	[sflag:s16] =	ssyncset.done $0x0  }
0x21f: {  	s6 =	sor.u32 s9, s6;
	[sflag:s16] =	ssyncadd.s32 $0xFFFFE000  }
0x220: {  	v3 =	vld [tilespmem:s6+$0x4470]  }
0x221: {  	v4 =	vld [tilespmem:s6+$0x4400]  }
0x222: {  	v5 =	vld [tilespmem:s6+$0x4410]  }
0x223: {  	s1 =	sor.u32 $0x10400, s1;
	v6 =	vld [tilespmem:s6+$0x4420]  }
0x224: {  	s4 =	sadd.s32 s4, s1;
	v7 =	vld [tilespmem:s6+$0x4430]  }
0x225: {  	s28 =	simm.s32 $0x0;
	s4 =	sor.u32 s9, s4;
	v8 =	vld [tilespmem:s6+$0x4440]  }
0x226: {  	s10 =	sand.u32 $0xC00, s28;
	s14 =	sor.u32 $0x70, s4;
	v10 =	vld [tilespmem:s6+$0x4460];
	v9 =	vunpack.i.l.bf16.f32 v3  }
0x227: {  	s1 =	sadd.s32 s10, s1;
	[tilespmem:s14+$0x0] =	vst.add.f32.msk $0xffff, v9  }
0x228: {  	s29 =	sor.u32 s9, s1;
	v3 =	vunpack.i.u.bf16.f32 v3;
	v9 =	vld [tilespmem:s6+$0x4450]  }
0x229: {  	[tilespmem:s29+$0x1070] =	vst.add.f32.msk $0xffff, v3;
	v3 =	vunpack.i.l.bf16.f32 v4  }
0x22a: {  	v4 =	vunpack.i.u.bf16.f32 v4;
	[tilespmem:s4+$0x0] =	vst.add.f32.msk $0xffff, v3  }
0x22b: {  	s22 =	sor.u32 $0x10, s4;
	v3 =	vunpack.i.l.bf16.f32 v5;
	[tilespmem:s4+$0x1000] =	vst.add.f32.msk $0xffff, v4  }
0x22c: {  	v4 =	vunpack.i.u.bf16.f32 v5;
	[tilespmem:s22+$0x0] =	vst.add.f32.msk $0xffff, v3  }
0x22d: {  	s23 =	sor.u32 $0x20, s4;
	v3 =	vunpack.i.l.bf16.f32 v6;
	[tilespmem:s29+$0x1010] =	vst.add.f32.msk $0xffff, v4  }
0x22e: {  	v4 =	vunpack.i.u.bf16.f32 v6;
	[tilespmem:s23+$0x0] =	vst.add.f32.msk $0xffff, v3  }
0x22f: {  	s24 =	sor.u32 $0x30, s4;
	v11 =	vunpack.i.u.bf16.f32 v7;
	v6 =	vunpack.i.l.bf16.f32 v7;
	[tilespmem:s29+$0x1020] =	vst.add.f32.msk $0xffff, v4  }
0x230: {  	s10 =	simm.s32 $0x0;
	s9 =	simm.s32 $0x0;
	v5 =	vunpack.i.u.bf16.f32 v8;
	v7 =	vunpack.i.l.bf16.f32 v8;
	v3 =	vunpack.i.u.bf16.f32 v9;
	[tilespmem:s24+$0x0] =	vst.add.f32.msk $0xffff, v6  }
0x231: {  	s12 =	sor.u32 $0x60, s4;
	s6 =	sor.u32 $0x40, s4;
	s22 =	sor.u32 $0x50, s4;
	v8 =	vunpack.i.l.bf16.f32 v9;
	v4 =	vunpack.i.u.bf16.f32 v10;
	v6 =	vunpack.i.l.bf16.f32 v10;
	[tilespmem:s29+$0x1030] =	vst.add.f32.msk $0xffff, v11  }
.LBB2_15:
0x232: {  	s10 =	sadd.s32 $0x8, s10;
	[tilespmem:s6+$0x0] =	vst.add.f32.msk $0xffff, v7  }
0x233: {  	s28 =	sadd.s32 $0x1000, s28;
	s1 =	sshll.u32 s10, $0x5;
	p1 =	slt.u32 s10, $0x1F8;
	[tilespmem:s29+$0x1040] =	vst.add.f32.msk $0xffff, v5  }
0x234: {  	s4 =	sshrl.u32 s28, $0x2;
	s1 =	sand.u32 $0x2000, s1;
	[tilespmem:s22+$0x0] =	vst.add.f32.msk $0xffff, v8  }
0x235: {  	s14 =	sshll.u32 s10, $0x2;
	s4 =	sand.u32 $0xC00, s4;
	s6 =	sshrl.u32 s1, $0x1;
	[tilespmem:s29+$0x1050] =	vst.add.f32.msk $0xffff, v3  }
0x236: {  	s14 =	sand.u32 $0x380, s14;
	s6 =	sor.u32 s4, s6;
	[tilespmem:s12+$0x0] =	vst.add.f32.msk $0xffff, v6  }
0x237: {  	s23 =	sor.u32 s14, s6;
	[tilespmem:s29+$0x1060] =	vst.add.f32.msk $0xffff, v4  }
0x238: {  	v3 =	vld [tilespmem:s23+$0x4470]  }
0x239: {  	v4 =	vld [tilespmem:s23+$0x4400]  }
0x23a: {  	s1 =	sor.u32 $0x10400, s1;
	v5 =	vld [tilespmem:s23+$0x4410]  }
0x23b: {  	s9 =	sadd.s32 $0x400, s9;
	s4 =	sadd.s32 s4, s1;
	v6 =	vld [tilespmem:s23+$0x4420]  }
0x23c: {  	s4 =	sor.u32 s14, s4;
	s6 =	sand.u32 $0xC00, s9;
	v7 =	vld [tilespmem:s23+$0x4430]  }
0x23d: {  	s24 =	sor.u32 $0x10, s4;
	s1 =	sadd.s32 s6, s1;
	s6 =	sor.u32 $0x70, s4;
	v8 =	vld [tilespmem:s23+$0x4440];
	v9 =	vunpack.i.l.bf16.f32 v3  }
0x23e: {  	s29 =	sor.u32 s14, s1;
	s1 =	sor.u32 $0x20, s4;
	s14 =	sor.u32 $0x30, s4;
	v3 =	vunpack.i.u.bf16.f32 v3;
	v10 =	vunpack.i.u.bf16.f32 v4;
	v4 =	vunpack.i.l.bf16.f32 v4;
	[tilespmem:s6+$0x0] =	vst.add.f32.msk $0xffff, v9  }
0x23f: {  	s22 =	sor.u32 $0x50, s4;
	s12 =	sor.u32 $0x60, s4;
	s6 =	sor.u32 $0x40, s4;
	v9 =	vunpack.i.u.bf16.f32 v5;
	v11 =	vunpack.i.l.bf16.f32 v5;
	[tilespmem:s29+$0x1070] =	vst.add.f32.msk $0xffff, v3  }
0x240: {  	v12 =	vunpack.i.u.bf16.f32 v6;
	v6 =	vunpack.i.l.bf16.f32 v6;
	v13 =	vld [tilespmem:s23+$0x4450]  }
0x241: {  	v14 =	vunpack.i.u.bf16.f32 v7;
	v15 =	vunpack.i.l.bf16.f32 v7;
	v16 =	vld [tilespmem:s23+$0x4460]  }
0x242: {  	[tilespmem:s4+$0x0] =	vst.add.f32.msk $0xffff, v4;
	v5 =	vunpack.i.u.bf16.f32 v8;
	v7 =	vunpack.i.l.bf16.f32 v8  }
0x243: {  	[tilespmem:s4+$0x1000] =	vst.add.f32.msk $0xffff, v10  }
0x244: {  	[tilespmem:s24+$0x0] =	vst.add.f32.msk $0xffff, v11  }
.Ltmp6:
0x245: {  	[tilespmem:s29+$0x1010] =	vst.add.f32.msk $0xffff, v9;
	v3 =	vunpack.i.u.bf16.f32 v13;
	v8 =	vunpack.i.l.bf16.f32 v13;
	(pc) =	sbr.rel @p1 .LBB2_15-.Ltmp6, $4  }
0x246: {  	[tilespmem:s1+$0x0] =	vst.add.f32.msk $0xffff, v6;
	v4 =	vunpack.i.u.bf16.f32 v16;
	v6 =	vunpack.i.l.bf16.f32 v16  }
0x247: {  	[tilespmem:s29+$0x1020] =	vst.add.f32.msk $0xffff, v12  }
0x248: {  	[tilespmem:s14+$0x0] =	vst.add.f32.msk $0xffff, v15  }
0x249: {  	[tilespmem:s29+$0x1030] =	vst.add.f32.msk $0xffff, v14  }
0x24a: {  	[tilespmem:s6+$0x0] =	vst.add.f32.msk $0xffff, v7  }
0x24b: {  	[tilespmem:s22+$0x0] =	vst.add.f32.msk $0xffff, v8  }
0x24c: {  	[tilespmem:s12+$0x0] =	vst.add.f32.msk $0xffff, v6  }
0x24d: {  	[tilespmem:s29+$0x1040] =	vst.add.f32.msk $0xffff, v5  }
0x24e: {  	[tilespmem:s29+$0x1050] =	vst.add.f32.msk $0xffff, v3  }
0x24f: {  	s1 =	sadd.s32 s30, s26;
	s4 =	simm.s32 $0x10400;
	[tilespmem:s29+$0x1060] =	vst.add.f32.msk $0xffff, v4  }
0x250: {  	[hbm4b:s1+s5] =	stream.linear.scatter [tilespmem:s4], [sflag:$0xB], $0x4000, $0x38;
	[tilespmem:$0x18400] =	vst v63  }
0x251: {  	s6 =	simm.s32 @!p0 $0x8400;
	_ =	swait.ge [sflag:s17], $0x4000  }
0x252: {  	s1 =	sshll.u32 @!p0 s25, $0xB;
	[sflag:s17] =	ssyncset.done $0x0;
	s4 =	rddreg [dreg:$0x6]  }
0x253: {  	[sflag:s17] =	ssyncadd.s32 $0xFFFFC000;
	s1 =	sadd.s32 @!p0 s1, s4;
	s4 =	simm.s32 @!p0 $0x0  }
0x254: {  	[tilespmem:s6], [sflag:$0x5] =	stream.linear.gather @!p0 [hbm4b:s1+s4], $0x4000, $0x38;
	[tilespmem:$0x18400] =	vst v63  }
0x255: {  	s1 =	sshll.u32 @!p0 s2, $0x6  }
0x256: {  	s1 =	sand.u32 @!p0 $0x3FFFFFC0, s1  }
0x257: {  	v3 =	vld @!p0 [tilespmem:s1+$0x50];
	_ =	sdelay $0x4  }
0x258: {  	v4 =	vshll.u32 @!p0 v3, $0x2  }
0x259: {  	v5 =	vlaneseq.u32 @!p0;
	v3 =	vand.u32 @!p0 $0x7, v3;
	v4 =	vand.u32 @!p0 $0xFFFFFFE0, v4  }
0x25a: {  	v6 =	vshrl.u32 @!p0 v5, $0x3;
	v3 =	vor.u32 @!p0 v3, v4;
	v4 =	vand.u32 @!p0 $0x7, v5  }
0x25b: {  	v6 =	vmul.u32 @!p0 $0x8, v6;
	v4 =	vperm.xlane @!p0 v3, v4;
	_ =	sdelay $0x1  }
0x25c: {  	v4 =	vadd.s32 @!p0 v6, v4  }
0x25d: {  	v5 =	vor.u32 @!p0 $0x8, v5  }
0x25e: {  	v3 =	vperm.xlane @!p0 v3, v5;
	_ =	sdelay $0x1  }
0x25f: {  	s1 =	simm.s32 @!p0 $0x2400;
	v3 =	vadd.s32 @!p0 v6, v3  }
0x260: {  	[tilespmem:s1], [sflag:$0x2] =	stream.indirect_vreg.gather @!p0 [hbm4b:s3+s4], $0x80, v4, vm1, $0xb8;
	[tilespmem:$0x18400] =	vst v63  }
0x261: {  	s1 =	simm.s32 @!p0 $0x2C00  }
0x262: {  	[tilespmem:s1], [sflag:$0x2] =	stream.indirect_vreg.gather @!p0 [hbm4b:s8+s4], $0x80, v4, vm1, $0xb8;
	[tilespmem:$0x18400] =	vst v63  }
0x263: {  	s1 =	simm.s32 @!p0 $0x3400  }
0x264: {  	[tilespmem:s1], [sflag:$0x2] =	stream.indirect_vreg.gather @!p0 [hbm4b:s3+s4], $0x80, v3, vm1, $0xb8;
	[tilespmem:$0x18400] =	vst v63  }
0x265: {  	s1 =	simm.s32 @!p0 $0x3C00  }
0x266: {  	[tilespmem:s1], [sflag:$0x2] =	stream.indirect_vreg.gather @!p0 [hbm4b:s8+s4], $0x80, v3, vm1, $0xb8;
	[tilespmem:$0x18400] =	vst v63  }
0x267: {  	_ =	swait.ge [sflag:s18], $0x4000  }
0x268: {  	s12 =	simm.s32 $0x0;
	s14 =	simm.s32 $0x0;
	[sflag:s18] =	ssyncset.done $0x0  }
0x269: {  	s9 =	simm.s32 $0x0;
	s1 =	sand.u32 $0x2000, s12;
	[sflag:s18] =	ssyncadd.s32 $0xFFFFC000  }
0x26a: {  	s4 =	sand.u32 $0xC00, s14;
	s22 =	sshrl.u32 s1, $0x1;
	_ =	swait.ge [sflag:s19], $0x2000  }
0x26b: {  	s9 =	sand.u32 $0x380, s9;
	s6 =	sor.u32 s4, s22;
	[sflag:s19] =	ssyncset.done $0x0  }
0x26c: {  	s6 =	sor.u32 s9, s6;
	[sflag:s19] =	ssyncadd.s32 $0xFFFFE000  }
0x26d: {  	v3 =	vld [tilespmem:s6+$0x6470]  }
0x26e: {  	v4 =	vld [tilespmem:s6+$0x6400]  }
0x26f: {  	v5 =	vld [tilespmem:s6+$0x6410]  }
0x270: {  	s1 =	sor.u32 $0x14400, s1;
	v6 =	vld [tilespmem:s6+$0x6420]  }
0x271: {  	s4 =	sadd.s32 s4, s1;
	v7 =	vld [tilespmem:s6+$0x6430]  }
0x272: {  	s25 =	simm.s32 $0x0;
	s4 =	sor.u32 s9, s4;
	v8 =	vld [tilespmem:s6+$0x6440]  }
0x273: {  	s10 =	sand.u32 $0xC00, s25;
	s23 =	sor.u32 $0x70, s4;
	v10 =	vld [tilespmem:s6+$0x6460];
	v9 =	vunpack.i.l.bf16.f32 v3  }
0x274: {  	s1 =	sadd.s32 s10, s1;
	[tilespmem:s23+$0x0] =	vst.add.f32.msk $0xffff, v9  }
0x275: {  	s26 =	sor.u32 s9, s1;
	v3 =	vunpack.i.u.bf16.f32 v3;
	v9 =	vld [tilespmem:s6+$0x6450]  }
0x276: {  	[tilespmem:s26+$0x1070] =	vst.add.f32.msk $0xffff, v3;
	v3 =	vunpack.i.l.bf16.f32 v4  }
0x277: {  	v4 =	vunpack.i.u.bf16.f32 v4;
	[tilespmem:s4+$0x0] =	vst.add.f32.msk $0xffff, v3  }
0x278: {  	s24 =	sor.u32 $0x10, s4;
	v3 =	vunpack.i.l.bf16.f32 v5;
	[tilespmem:s4+$0x1000] =	vst.add.f32.msk $0xffff, v4  }
0x279: {  	v4 =	vunpack.i.u.bf16.f32 v5;
	[tilespmem:s24+$0x0] =	vst.add.f32.msk $0xffff, v3  }
0x27a: {  	s28 =	sor.u32 $0x20, s4;
	v3 =	vunpack.i.l.bf16.f32 v6;
	[tilespmem:s26+$0x1010] =	vst.add.f32.msk $0xffff, v4  }
0x27b: {  	v4 =	vunpack.i.u.bf16.f32 v6;
	[tilespmem:s28+$0x0] =	vst.add.f32.msk $0xffff, v3  }
0x27c: {  	s29 =	sor.u32 $0x30, s4;
	v11 =	vunpack.i.u.bf16.f32 v7;
	v6 =	vunpack.i.l.bf16.f32 v7;
	[tilespmem:s26+$0x1020] =	vst.add.f32.msk $0xffff, v4  }
0x27d: {  	s10 =	simm.s32 $0x0;
	s9 =	simm.s32 $0x0;
	v5 =	vunpack.i.u.bf16.f32 v8;
	v7 =	vunpack.i.l.bf16.f32 v8;
	v3 =	vunpack.i.u.bf16.f32 v9;
	[tilespmem:s29+$0x0] =	vst.add.f32.msk $0xffff, v6  }
0x27e: {  	s22 =	sor.u32 $0x50, s4;
	s12 =	sor.u32 $0x60, s4;
	s6 =	sor.u32 $0x40, s4;
	v8 =	vunpack.i.l.bf16.f32 v9;
	v4 =	vunpack.i.u.bf16.f32 v10;
	v6 =	vunpack.i.l.bf16.f32 v10;
	[tilespmem:s26+$0x1030] =	vst.add.f32.msk $0xffff, v11  }
.LBB2_17:
0x27f: {  	s10 =	sadd.s32 $0x8, s10;
	[tilespmem:s6+$0x0] =	vst.add.f32.msk $0xffff, v7  }
0x280: {  	s25 =	sadd.s32 $0x1000, s25;
	s1 =	sshll.u32 s10, $0x5;
	p0 =	slt.u32 s10, $0x1F8;
	[tilespmem:s26+$0x1040] =	vst.add.f32.msk $0xffff, v5  }
0x281: {  	s4 =	sshrl.u32 s25, $0x2;
	s1 =	sand.u32 $0x2000, s1;
	[tilespmem:s22+$0x0] =	vst.add.f32.msk $0xffff, v8  }
0x282: {  	s14 =	sshll.u32 s10, $0x2;
	s4 =	sand.u32 $0xC00, s4;
	s6 =	sshrl.u32 s1, $0x1;
	[tilespmem:s26+$0x1050] =	vst.add.f32.msk $0xffff, v3  }
0x283: {  	s14 =	sand.u32 $0x380, s14;
	s6 =	sor.u32 s4, s6;
	[tilespmem:s12+$0x0] =	vst.add.f32.msk $0xffff, v6  }
0x284: {  	s23 =	sor.u32 s14, s6;
	[tilespmem:s26+$0x1060] =	vst.add.f32.msk $0xffff, v4  }
0x285: {  	v3 =	vld [tilespmem:s23+$0x6470]  }
0x286: {  	v4 =	vld [tilespmem:s23+$0x6400]  }
0x287: {  	s1 =	sor.u32 $0x14400, s1;
	v5 =	vld [tilespmem:s23+$0x6410]  }
0x288: {  	s9 =	sadd.s32 $0x400, s9;
	s4 =	sadd.s32 s4, s1;
	v6 =	vld [tilespmem:s23+$0x6420]  }
0x289: {  	s4 =	sor.u32 s14, s4;
	s6 =	sand.u32 $0xC00, s9;
	v7 =	vld [tilespmem:s23+$0x6430]  }
0x28a: {  	s24 =	sor.u32 $0x10, s4;
	s1 =	sadd.s32 s6, s1;
	s6 =	sor.u32 $0x70, s4;
	v8 =	vld [tilespmem:s23+$0x6440];
	v9 =	vunpack.i.l.bf16.f32 v3  }
0x28b: {  	s26 =	sor.u32 s14, s1;
	s1 =	sor.u32 $0x20, s4;
	s14 =	sor.u32 $0x30, s4;
	v3 =	vunpack.i.u.bf16.f32 v3;
	v10 =	vunpack.i.u.bf16.f32 v4;
	v4 =	vunpack.i.l.bf16.f32 v4;
	[tilespmem:s6+$0x0] =	vst.add.f32.msk $0xffff, v9  }
0x28c: {  	s22 =	sor.u32 $0x50, s4;
	s12 =	sor.u32 $0x60, s4;
	s6 =	sor.u32 $0x40, s4;
	v9 =	vunpack.i.u.bf16.f32 v5;
	v11 =	vunpack.i.l.bf16.f32 v5;
	[tilespmem:s26+$0x1070] =	vst.add.f32.msk $0xffff, v3  }
0x28d: {  	v12 =	vunpack.i.u.bf16.f32 v6;
	v6 =	vunpack.i.l.bf16.f32 v6;
	v13 =	vld [tilespmem:s23+$0x6450]  }
0x28e: {  	v14 =	vunpack.i.u.bf16.f32 v7;
	v15 =	vunpack.i.l.bf16.f32 v7;
	v16 =	vld [tilespmem:s23+$0x6460]  }
0x28f: {  	[tilespmem:s4+$0x0] =	vst.add.f32.msk $0xffff, v4;
	v5 =	vunpack.i.u.bf16.f32 v8;
	v7 =	vunpack.i.l.bf16.f32 v8  }
0x290: {  	[tilespmem:s4+$0x1000] =	vst.add.f32.msk $0xffff, v10  }
0x291: {  	[tilespmem:s24+$0x0] =	vst.add.f32.msk $0xffff, v11  }
.Ltmp7:
0x292: {  	[tilespmem:s26+$0x1010] =	vst.add.f32.msk $0xffff, v9;
	v3 =	vunpack.i.u.bf16.f32 v13;
	v8 =	vunpack.i.l.bf16.f32 v13;
	(pc) =	sbr.rel @p0 .LBB2_17-.Ltmp7, $4  }
0x293: {  	[tilespmem:s1+$0x0] =	vst.add.f32.msk $0xffff, v6;
	v4 =	vunpack.i.u.bf16.f32 v16;
	v6 =	vunpack.i.l.bf16.f32 v16  }
0x294: {  	[tilespmem:s26+$0x1020] =	vst.add.f32.msk $0xffff, v12  }
0x295: {  	[tilespmem:s14+$0x0] =	vst.add.f32.msk $0xffff, v15  }
0x296: {  	[tilespmem:s26+$0x1030] =	vst.add.f32.msk $0xffff, v14  }
0x297: {  	[tilespmem:s6+$0x0] =	vst.add.f32.msk $0xffff, v7;
	s2 =	sadd.s32 $0x1, s2  }
0x298: {  	[tilespmem:s22+$0x0] =	vst.add.f32.msk $0xffff, v8;
	p0 =	sne.s32 s2, $0x10  }
.Ltmp8:
0x299: {  	[tilespmem:s12+$0x0] =	vst.add.f32.msk $0xffff, v6;
	(pc) =	sbr.rel @p0 .LBB2_10-.Ltmp8, $4  }
0x29a: {  	[tilespmem:s26+$0x1040] =	vst.add.f32.msk $0xffff, v5  }
0x29b: {  	[tilespmem:s26+$0x1050] =	vst.add.f32.msk $0xffff, v3  }
0x29c: {  	s1 =	sadd.s32 s30, s21;
	s4 =	simm.s32 $0x14400;
	[tilespmem:s26+$0x1060] =	vst.add.f32.msk $0xffff, v4  }
0x29d: {  	[hbm4b:s1+s5] =	stream.linear.scatter [tilespmem:s4], [sflag:$0xC], $0x4000, $0x38;
	[tilespmem:$0x18400] =	vst v63  }
0x29e: {  	_ =	swait.ge [sflag:s20], $0x4000  }
0x29f: {  	[sflag:s20] =	ssyncset.done $0x0  }
0x2a0: {  	[sflag:s20] =	ssyncadd.s32 $0xFFFFC000  }
0x2a1: {  	_ =	swait.ge [sflag:s31], $0x4000  }
0x2a2: {  	[sflag:s31] =	ssyncset.done $0x0  }
0x2a3: {  	[sflag:s31] =	ssyncadd.s32 $0xFFFFC000  }
0x2a4: {  	_ =	swait.ge [sflag:s0], $0x4000  }
0x2a5: {  	s2 =	rddreg [dreg:$0x11]  }
0x2a6: {  	s1 =	rddreg [dreg:$0x10];
	s2 =	sadd.s32 $0x1, s2  }
0x2a7: {  	p0 =	sne.s32 s2, s1  }
.Ltmp9:
0x2a8: {  	_ = 	snop;
	(pc) =	sbr.rel @p0 .LBB2_1-.Ltmp9, $3  }
0x2a9: {  	_ =	sdelay $0x1  }
0x2aa: {  	s4 =	simm.s32 $0x400;
	s14 =	simm.s32 $0xC00;
	[sflag:s0] =	ssyncset.done $0x0  }
0x2ab: {  	s23 =	simm.s32 $0x1400;
	s24 =	simm.s32 $0x1C00;
	[sflag:s0] =	ssyncadd.s32 $0xFFFFC000  }
0x2ac: {  	_ =	sfence.sel $0x180000  }
0x2ad: {  	[bflag:$0x0] =	sbarrier.arrive $0xFFFF  }
0x2ae: {  	_ =	strace $0x90000047  }
0x2af: {  	s0 =	stileid.u32;
	[bflag:$0x2] =	sbarrier.arrive $0xFFFF  }
0x2b0: {  	p0 =	sne.s32 s0, $0x0;
	s0 =	rddreg [dreg:$0x4]  }
0x2b1: {  	s0 =	sadd.s32 @!p0 $0x100000, s0  }
0x2b2: {  	[sflag:s0] =	ssyncadd.tile.s32 @!p0 $0x1;
	_ =	shalt  }
.Lfunc_end2:
_tile_overlayer_lowered:
.L_overlay_start_2:
0x2b3: {  	(tag) =	ssettag $0x2  }
0x2b4: {  	s0 =	rddreg [dreg:$0x0];
	s2 =	stileid.u32  }
0x2b5: {  	s1 =	rddreg [dreg:$0x1];
	p0 =	sne.s32 s2, $0x0  }
0x2b6: {  	s3 =	rddreg [dreg:$0x2];
	[bflag:$0x3] =	sbarrier.arrive $0xFFFF;
	s2 =	simm.s32 @!p0 $0x1C0D  }
0x2b7: {  	[timem:s3], [sflag:s2] =	dma.local @!p0 [hbm:s0], s1  }
0x2b8: {  	s0 =	simm.s32 @!p0 $0xD  }
0x2b9: {  	_ =	swait.ge @!p0 [sflag:s0], s1  }
0x2ba: {  	s1 =	ssub.s32 @!p0 $0x0, s1;
	[sflag:s0] =	ssyncset.done @!p0 $0x0  }
0x2bb: {  	[sflag:s0] =	ssyncadd.s32 @!p0 s1  }
0x2bc: {  	[bflag:$0x3] =	sbarrier.arrive $0xFFFF  }
0x2bd: {  	_ =	shalt  }

</sc_bundles>
